<compile_context>
chip_gen: v7x
topology: tpu7x:2x2x1
jax: 0.10.2.dev20260603
libtpu: 0.0.44.dev20260713+nightly
codegen_flags: <defaults>
</compile_context>

<pallas_src>
import functools

import jax
import jax.numpy as jnp
import numpy as np
from jax import lax
from jax.experimental import pallas as pl
from jax.experimental.pallas import tpu as pltpu
from jax.experimental.pallas import tpu_sc as plsc

_NUM_CLASSES = 16
_REG_CN = 5
_SCORE_THRESH = 0.05
_NMS_THRESH = 0.5
_DET_PER_IMG = 100
_PRE_NMS_TOPK = 1000
_BBOX_W = (10.0, 10.0, 5.0, 5.0, 1.0)
_NCLS = _NUM_CLASSES - 1
_PADK = 1024
_PADN = 5120
_MAX_SWEEPS = 64


def _decode_boxes(regr, props):
    wx, wy, ww, wh, wa = _BBOX_W
    n = props.shape[0]
    r = regr.reshape(n, _NUM_CLASSES, _REG_CN)
    cx = props[:, 0:1]
    cy = props[:, 1:2]
    w = props[:, 2:3]
    h = props[:, 3:4]
    a = props[:, 4:5]
    dx = r[..., 0] / wx
    dy = r[..., 1] / wy
    dw = jnp.minimum(r[..., 2] / ww, np.log(1000.0 / 16.0))
    dh = jnp.minimum(r[..., 3] / wh, np.log(1000.0 / 16.0))
    da = r[..., 4] / wa
    pcx = dx * w + cx
    pcy = dy * h + cy
    pw = jnp.exp(dw) * w
    ph = jnp.exp(dh) * h
    pa = a + da * (180.0 / np.pi)
    return jnp.stack([pcx, pcy, pw, ph, pa], axis=-1)



def _tau_body(s_ref, tau_ref, need_ref):
    bits = lax.bitcast_convert_type(s_ref[:, :], jnp.int32)

    def body(b, t):
        cand = t | (1 << (30 - b))
        cnt = jnp.sum(jnp.where(bits >= cand, 1, 0), axis=1, keepdims=True)
        return jnp.where(cnt >= _PRE_NMS_TOPK, cand, t)

    t = lax.fori_loop(0, 31, body, jnp.zeros((_NUM_CLASSES, 1), jnp.int32))
    m = jnp.sum(jnp.where(bits > t, 1, 0), axis=1, keepdims=True)
    tau = lax.bitcast_convert_type(t, jnp.float32)
    tau_ref[:, :] = jnp.broadcast_to(tau, (_NUM_CLASSES, 128))
    need_ref[:, :] = jnp.broadcast_to(_PRE_NMS_TOPK - m, (_NUM_CLASSES, 128))


def _run_tau(s_pad):
    return pl.pallas_call(
        _tau_body,
        out_shape=[jax.ShapeDtypeStruct((_NUM_CLASSES, 128), jnp.float32),
                   jax.ShapeDtypeStruct((_NUM_CLASSES, 128), jnp.int32)],
    )(s_pad)



def _make_sc_select_gather():
    mesh = plsc.VectorSubcoreMesh(core_axis_name="c", subcore_axis_name="s")

    @functools.partial(
        pl.kernel,
        mesh=mesh,
        compiler_params=pltpu.CompilerParams(needs_layout_passes=False),
        out_type=[jax.ShapeDtypeStruct((_NUM_CLASSES, _PADK), jnp.float32),
                  jax.ShapeDtypeStruct((_NUM_CLASSES, _REG_CN, _PADK),
                                       jnp.float32)],
        scratch_types=[pltpu.VMEM((_PADN,), jnp.float32),
                       pltpu.VMEM((_REG_CN, _PADN), jnp.float32),
                       pltpu.VMEM((_PADK,), jnp.int32),
                       pltpu.VMEM((_PADK,), jnp.float32),
                       pltpu.VMEM((_REG_CN, _PADK), jnp.float32),
                       pltpu.VMEM((128,), jnp.float32),
                       pltpu.VMEM((128,), jnp.int32)],
    )
    def _body(scores_hbm, coords_hbm, tau_hbm, need_hbm,
              sco_out, coord_out,
              s_buf, c_buf, idx_buf, osco_buf, ocoord_buf,
              tau_buf, need_buf):
        _sc_select_gather_body(scores_hbm, coords_hbm, tau_hbm, need_hbm,
                               sco_out, coord_out,
                               s_buf, c_buf, idx_buf, osco_buf, ocoord_buf,
                               tau_buf, need_buf)

    return _body


def _sc_select_gather(*args):
    return _make_sc_select_gather()(*args)


def _sc_select_gather_body(scores_hbm, coords_hbm, tau_hbm, need_hbm,
                           sco_out, coord_out,
                           s_buf, c_buf, idx_buf, osco_buf, ocoord_buf,
                           tau_buf, need_buf):
    cls = lax.axis_index("s")
    core = lax.axis_index("c")

    @pl.when((core == 0) & (cls >= 1))
    def _():
        pltpu.sync_copy(scores_hbm.at[cls], s_buf)
        pltpu.sync_copy(coords_hbm.at[cls], c_buf)
        pltpu.sync_copy(tau_hbm.at[cls], tau_buf)
        pltpu.sync_copy(need_hbm.at[cls], need_buf)
        tau_v = tau_buf[pl.ds(0, 16)]
        need_v = need_buf[pl.ds(0, 16)]
        lanes = lax.iota(jnp.int32, 16)

        def ibody(k, carry):
            idx_buf[pl.ds(k * 16, 16)] = jnp.zeros((16,), jnp.int32)
            osco_buf[pl.ds(k * 16, 16)] = jnp.full((16,), -2.0, jnp.float32)
            return carry

        lax.fori_loop(0, _PADK // 16, ibody, jnp.int32(0))

        def cbody(k, carry):
            off_v, eq_v = carry
            s = s_buf[pl.ds(k * 16, 16)]
            gt = s > tau_v
            eq = s == tau_v
            one = jnp.ones((16,), jnp.int32)
            zero = jnp.zeros((16,), jnp.int32)
            ceq = jnp.cumsum(jnp.where(eq, one, zero))
            sel = gt | (eq & ((eq_v + ceq) <= need_v))
            csel = jnp.cumsum(jnp.where(sel, one, zero))
            pos = jnp.where(sel, (off_v + csel) - one, zero)
            base = jnp.full((16,), k * 16, jnp.int32)
            plsc.store_scatter(idx_buf, [pos], base + lanes, mask=sel)
            plsc.store_scatter(osco_buf, [pos], s, mask=sel)
            off_v = off_v + plsc.all_reduce_population_count(sel)
            eq_v = eq_v + plsc.all_reduce_population_count(eq)
            return off_v, eq_v

        lax.fori_loop(0, _PADN // 16, cbody,
                      (jnp.zeros((16,), jnp.int32),
                       jnp.zeros((16,), jnp.int32)))

        def gbody(k, carry):
            pos = jnp.full((16,), k * 16, jnp.int32) + lanes
            iv = idx_buf[pl.ds(k * 16, 16)]
            for r in range(_REG_CN):
                rv = jnp.full((16,), r, jnp.int32)
                v = plsc.load_gather(c_buf, [rv, iv])
                plsc.store_scatter(ocoord_buf, [rv, pos], v)
            return carry

        lax.fori_loop(0, _PADK // 16, gbody, jnp.int32(0))

        pltpu.sync_copy(osco_buf, sco_out.at[cls])
        pltpu.sync_copy(ocoord_buf, coord_out.at[cls])



def _nms_body(xs_ref, ys_ref, xt_ref, yt_ref, out_ref, t_scr):
    x1s = xs_ref[:, 0:1]
    x2s = xs_ref[:, 1:2]
    ars = xs_ref[:, 2:3]
    ss = xs_ref[:, 3:4]
    y1s = ys_ref[:, 0:1]
    y2s = ys_ref[:, 1:2]
    x1t = xt_ref[0:1, :]
    x2t = xt_ref[1:2, :]
    art = xt_ref[2:3, :]
    st = xt_ref[3:4, :]
    y1t = yt_ref[0:1, :]
    y2t = yt_ref[1:2, :]

    iw = jnp.maximum(jnp.minimum(x2s, x2t) - jnp.maximum(x1s, x1t), 0.0)
    ih = jnp.maximum(jnp.minimum(y2s, y2t) - jnp.maximum(y1s, y1t), 0.0)
    inter = iw * ih
    iou = inter / (ars + art - inter + 1e-9)
    ovl = iou > _NMS_THRESH
    subl = lax.broadcasted_iota(jnp.int32, (_PADK, _PADK), 0)
    lane2 = lax.broadcasted_iota(jnp.int32, (_PADK, _PADK), 1)
    pri = (ss > st) | ((ss == st) & (subl < lane2))
    t_scr[:, :] = jnp.where(ovl & pri, 1.0, 0.0).astype(jnp.bfloat16)

    lane = lax.broadcasted_iota(jnp.int32, (1, _PADK), 1)
    valid = lane < _PRE_NMS_TOPK
    keep0 = jnp.where(valid, 1.0, 0.0)

    def sweep_cond(stt):
        _, ch, n = stt
        return (ch > 0) & (n < _MAX_SWEEPS)

    def sweep_body(stt):
        k, _, n = stt
        supp = lax.dot_general(
            k.astype(jnp.bfloat16), t_scr[:, :],
            dimension_numbers=(((1,), (0,)), ((), ())),
            preferred_element_type=jnp.float32)
        kn = jnp.where(valid & (supp < 0.5), 1.0, 0.0)
        ch = jnp.sum(jnp.where(kn != k, 1.0, 0.0))
        return kn, ch, n + 1

    keep, changed, _ = lax.while_loop(
        sweep_cond, sweep_body, (keep0, jnp.float32(1.0), jnp.int32(0)))

    def seq_scan():
        def body(t, stt):
            kp, un = stt
            smask = jnp.where(un > 0.5, st, -3.0)
            mx = jnp.max(smask)
            p = jnp.min(jnp.where(smask == mx, lane, _PADK))
            x1p = xs_ref[pl.ds(p, 1), 0:1]
            x2p = xs_ref[pl.ds(p, 1), 1:2]
            arp = xs_ref[pl.ds(p, 1), 2:3]
            y1p = ys_ref[pl.ds(p, 1), 0:1]
            y2p = ys_ref[pl.ds(p, 1), 1:2]
            iwp = jnp.maximum(jnp.minimum(x2p, x2t) - jnp.maximum(x1p, x1t),
                              0.0)
            ihp = jnp.maximum(jnp.minimum(y2p, y2t) - jnp.maximum(y1p, y1t),
                              0.0)
            intp = iwp * ihp
            ioup = intp / (arp + art - intp + 1e-9)
            row = jnp.where(ioup > _NMS_THRESH, 1.0, 0.0)
            sup = jnp.max(row * kp)
            kp = jnp.where(lane == p,
                           jnp.where(sup > 0.5, 0.0, 1.0), kp)
            un = jnp.where(lane == p, 0.0, un)
            return kp, un

        kp, _ = lax.fori_loop(0, _PRE_NMS_TOPK, body,
                              (jnp.zeros((1, _PADK), jnp.float32), keep0))
        return kp

    keep = lax.cond(changed > 0, seq_scan, lambda: keep)

    out_ref[0:1, :] = jnp.where((keep > 0.5) & (st > _SCORE_THRESH), st,
                                jnp.where(valid, -1.0, -3.0))


def _run_nms(xs, ys, xt, yt):
    return pl.pallas_call(
        _nms_body,
        grid=(_NCLS,),
        in_specs=[
            pl.BlockSpec((None, _PADK, 4), lambda c: (c + 1, 0, 0)),
            pl.BlockSpec((None, _PADK, 4), lambda c: (c + 1, 0, 0)),
            pl.BlockSpec((None, 4, _PADK), lambda c: (c + 1, 0, 0)),
            pl.BlockSpec((None, 4, _PADK), lambda c: (c + 1, 0, 0)),
        ],
        out_specs=pl.BlockSpec((None, 1, _PADK), lambda c: (c, 0, 0)),
        out_shape=jax.ShapeDtypeStruct((_NCLS, 1, _PADK), jnp.float32),
        scratch_shapes=[pltpu.VMEM((_PADK, _PADK), jnp.bfloat16)],
    )(xs, ys, xt, yt)


def kernel(class_logits, box_regression, proposals):
    probs = jax.nn.softmax(class_logits, axis=-1)
    decoded = _decode_boxes(box_regression, proposals)

    scores_t = jnp.transpose(probs)
    s_pad = jnp.pad(scores_t, ((0, 0), (0, _PADN - scores_t.shape[1])))
    coords_t = jnp.transpose(decoded, (1, 2, 0))
    c_pad = jnp.pad(coords_t, ((0, 0), (0, 0), (0, _PADN - 5000)))

    tau, need = _run_tau(s_pad)
    sco, coords = _sc_select_gather(s_pad, c_pad, tau, need)

    cx = coords[:, 0]
    cy = coords[:, 1]
    w = coords[:, 2]
    h = coords[:, 3]
    x1 = cx - w * 0.5
    y1 = cy - h * 0.5
    x2 = cx + w * 0.5
    y2 = cy + h * 0.5
    area = (x2 - x1) * (y2 - y1)
    zeros = jnp.zeros_like(x1)
    xt = jnp.stack([x1, x2, area, sco], axis=1)
    yt = jnp.stack([y1, y2, zeros, zeros], axis=1)
    xs = jnp.transpose(xt, (0, 2, 1))
    ys = jnp.transpose(yt, (0, 2, 1))

    final = _run_nms(xs, ys, xt, yt)
    s_flat = final.reshape(-1)
    b_flat = jnp.transpose(coords[1:], (0, 2, 1)).reshape(-1, _REG_CN)

    ts, ti = lax.top_k(s_flat, _DET_PER_IMG)
    lab = (ti // _PADK + 1).astype(jnp.float32)
    return jnp.concatenate([b_flat[ti], ts[:, None], lab[:, None]], axis=1)

# --- scband reference (transcript-rebuilt; emitter-appended) ---
"""Pipeline reference for scband-roibox-head-46866683134498 (READ-ONLY COPY).

The authoritative reference and input builder live on the scoring server;
editing this copy changes nothing except your own understanding.
"""

import jax, jax.numpy as jnp
import numpy as np

NUM_CLASSES = 16
REG_CN = 5
SCORE_THRESH = 0.05
NMS_THRESH = 0.5
DET_PER_IMG = 100
PRE_NMS_TOPK = 1000
BBOX_W = (10.0, 10.0, 5.0, 5.0, 1.0)
N_BOXES = 5000


def setup_inputs(seed: int = 0):
    key = jax.random.key(seed)
    k1, k2, k3 = jax.random.split(key, 3)
    class_logits = jax.random.normal(k1, (N_BOXES, NUM_CLASSES), dtype=jnp.float32)
    box_regression = jax.random.normal(k2, (N_BOXES, NUM_CLASSES * REG_CN), dtype=jnp.float32) * 0.2
    u = jax.random.uniform(k3, (N_BOXES, 5), dtype=jnp.float32)
    cx = u[:, 0] * 1024.0
    cy = u[:, 1] * 1024.0
    w = u[:, 2] * 120.0 + 16.0
    h = u[:, 3] * 120.0 + 16.0
    ang = u[:, 4] * 180.0 - 90.0
    proposals = jnp.stack([cx, cy, w, h, ang], axis=1)
    return {"class_logits": class_logits, "box_regression": box_regression, "proposals": proposals}


def _decode(regr, props):
    wx, wy, ww, wh, wa = BBOX_W
    n = props.shape[0]
    r = regr.reshape(n, NUM_CLASSES, REG_CN)
    cx = props[:, 0:1]; cy = props[:, 1:2]; w = props[:, 2:3]; h = props[:, 3:4]; a = props[:, 4:5]
    dx = r[..., 0] / wx; dy = r[..., 1] / wy
    dw = jnp.minimum(r[..., 2] / ww, np.log(1000.0 / 16.0))
    dh = jnp.minimum(r[..., 3] / wh, np.log(1000.0 / 16.0))
    da = r[..., 4] / wa
    pcx = dx * w + cx; pcy = dy * h + cy
    pw = jnp.exp(dw) * w; ph = jnp.exp(dh) * h
    pa = a + da * (180.0 / np.pi)
    return jnp.stack([pcx, pcy, pw, ph, pa], axis=-1)


def _iou_aabb(b):
    x1 = b[:, 0] - b[:, 2] * 0.5; y1 = b[:, 1] - b[:, 3] * 0.5
    x2 = b[:, 0] + b[:, 2] * 0.5; y2 = b[:, 1] + b[:, 3] * 0.5
    area = (x2 - x1) * (y2 - y1)
    iw = jnp.maximum(jnp.minimum(x2[:, None], x2[None, :]) - jnp.maximum(x1[:, None], x1[None, :]), 0.0)
    ih = jnp.maximum(jnp.minimum(y2[:, None], y2[None, :]) - jnp.maximum(y1[:, None], y1[None, :]), 0.0)
    inter = iw * ih
    return inter / (area[:, None] + area[None, :] - inter + 1e-9)


def _nms_keep(iou, thresh):
    n = iou.shape[0]
    def body(i, st):
        keep, sup = st
        is_kept = jnp.logical_not(sup[i])
        keep = keep.at[i].set(is_kept)
        sup = jnp.logical_or(sup, jnp.logical_and(is_kept, iou[i] > thresh))
        return (keep, sup)
    keep, _ = jax.lax.fori_loop(0, n, body, (jnp.zeros((n,), bool), jnp.zeros((n,), bool)))
    return keep


def reference(class_logits, box_regression, proposals):
    probs = jax.nn.softmax(class_logits, axis=-1)
    decoded = _decode(box_regression, proposals)
    all_s = []; all_b = []; all_l = []
    for c in range(1, NUM_CLASSES):
        sc = probs[:, c]
        top_s, idx = jax.lax.top_k(sc, PRE_NMS_TOPK)
        top_b = decoded[idx, c, :]
        iou = _iou_aabb(top_b)
        keep = _nms_keep(jax.lax.stop_gradient(iou), NMS_THRESH)
        final_s = jnp.where(jnp.logical_and(keep, top_s > SCORE_THRESH), top_s, -1.0)
        all_s.append(final_s); all_b.append(top_b)
        all_l.append(jnp.full((PRE_NMS_TOPK,), float(c), dtype=jnp.float32))
    s = jnp.concatenate(all_s); b = jnp.concatenate(all_b, axis=0); l = jnp.concatenate(all_l)
    ts, ti = jax.lax.top_k(s, DET_PER_IMG)
    return jnp.concatenate([b[ti], ts[:, None], l[ti][:, None]], axis=1)

if __name__ == "__main__":
    import jax
    _d = setup_inputs()
    print(jax.jit(kernel)(*tuple(_d.values())))

</pallas_src>

<mosaic_0001>
#map = affine_map<(d0, d1) -> (0, 0)>
#map1 = affine_map<(d0, d1) -> (0, 0, 0)>
module attributes {stable_mosaic.version = 14 : i64} {
  func.func @_body(%arg0: i32, %arg1: i32, %arg2: memref<16x5120xf32, #tpu.memory_space<hbm>>, %arg3: memref<16x5x5120xf32, #tpu.memory_space<hbm>>, %arg4: memref<16x128xf32, #tpu.memory_space<hbm>>, %arg5: memref<16x128xi32, #tpu.memory_space<hbm>>, %arg6: memref<16x1024xf32, #tpu.memory_space<hbm>>, %arg7: memref<16x5x1024xf32, #tpu.memory_space<hbm>>, %arg8: memref<5120xf32, #tpu.memory_space<vmem>>, %arg9: memref<5x5120xf32, #tpu.memory_space<vmem>>, %arg10: memref<1024xi32, #tpu.memory_space<vmem>>, %arg11: memref<1024xf32, #tpu.memory_space<vmem>>, %arg12: memref<5x1024xf32, #tpu.memory_space<vmem>>, %arg13: memref<128xf32, #tpu.memory_space<vmem>>, %arg14: memref<128xi32, #tpu.memory_space<vmem>>) attributes {dimension_semantics = [#tpu.dimension_semantics<core_parallel>, #tpu.dimension_semantics<subcore_parallel>], iteration_bounds = array<i64: 2, 16>, scalar_prefetch = 0 : i64, scratch_operands = 7 : i64, tpu.core_type = #tpu.core_type<sc_vector_subcore>, window_params = [{transform_indices = #map}, {transform_indices = #map1}, {transform_indices = #map}, {transform_indices = #map}, {transform_indices = #map}, {transform_indices = #map1}]} {
    %eq3A = arith.constant 0 : i32
    %eq3A_0 = arith.cmpi eq, %arg0, %eq3A : i32
    %ge3A = arith.constant 1 : i32
    %ge3A_1 = arith.cmpi sge, %arg1, %ge3A : i32
    %and3A = arith.andi %eq3A_0, %ge3A_1 : i1
    %convert_element_type3A = arith.extui %and3A : i1 to i32
    %cond3A = arith.constant 0 : i32
    %cond3A_2 = arith.cmpi ne, %convert_element_type3A, %cond3A : i32
    scf.if %cond3A_2 {
      "tpu.region"() ({
        %run_scoped3A = tpu.sem_alloc : memref<!tpu.dma_semaphore, #tpu.memory_space<semaphore_mem>>
        %dma_start3A = arith.constant 0 : i32
        %dma_start3A_26 = tpu.memref_slice %arg2[%arg1, %dma_start3A] : memref<16x5120xf32, #tpu.memory_space<hbm>> -> memref<1x5120xf32, #tpu.memory_space<hbm>>
        %dma_start3A_27 = tpu.memref_squeeze %dma_start3A_26 : memref<1x5120xf32, #tpu.memory_space<hbm>> -> memref<5120xf32, #tpu.memory_space<hbm>>
        %dma_start3A_28 = arith.constant 0 : i32
        %dma_start3A_29 = tpu.memref_slice %arg2[%arg1, %dma_start3A_28] : memref<16x5120xf32, #tpu.memory_space<hbm>> -> memref<1x5120xf32, #tpu.memory_space<hbm>>
        %dma_start3A_30 = tpu.memref_squeeze %dma_start3A_29 : memref<1x5120xf32, #tpu.memory_space<hbm>> -> memref<5120xf32, #tpu.memory_space<hbm>>
        tpu.enqueue_dma source(%dma_start3A_30 : memref<5120xf32, #tpu.memory_space<hbm>>) target(%arg8 : memref<5120xf32, #tpu.memory_space<vmem>>) target_semaphore(%run_scoped3A : memref<!tpu.dma_semaphore, #tpu.memory_space<semaphore_mem>>)
        %dma_wait3A = arith.constant 0 : i32
        %dma_wait3A_31 = tpu.memref_slice %arg2[%arg1, %dma_wait3A] : memref<16x5120xf32, #tpu.memory_space<hbm>> -> memref<1x5120xf32, #tpu.memory_space<hbm>>
        %dma_wait3A_32 = tpu.memref_squeeze %dma_wait3A_31 : memref<1x5120xf32, #tpu.memory_space<hbm>> -> memref<5120xf32, #tpu.memory_space<hbm>>
        %dma_wait3A_33 = arith.constant 0 : i32
        %dma_wait3A_34 = tpu.memref_slice %arg2[%arg1, %dma_wait3A_33] : memref<16x5120xf32, #tpu.memory_space<hbm>> -> memref<1x5120xf32, #tpu.memory_space<hbm>>
        %dma_wait3A_35 = tpu.memref_squeeze %dma_wait3A_34 : memref<1x5120xf32, #tpu.memory_space<hbm>> -> memref<5120xf32, #tpu.memory_space<hbm>>
        tpu.wait_dma2 semaphore(%run_scoped3A : memref<!tpu.dma_semaphore, #tpu.memory_space<semaphore_mem>>) src(%dma_wait3A_35 : memref<5120xf32, #tpu.memory_space<hbm>>) dst(%arg8 : memref<5120xf32, #tpu.memory_space<vmem>>)
        tpu.yield
      }) : () -> ()
      "tpu.region"() ({
        %run_scoped3A = tpu.sem_alloc : memref<!tpu.dma_semaphore, #tpu.memory_space<semaphore_mem>>
        %dma_start3A = arith.constant 0 : i32
        %dma_start3A_26 = arith.constant 0 : i32
        %dma_start3A_27 = tpu.memref_slice %arg3[%arg1, %dma_start3A, %dma_start3A_26] : memref<16x5x5120xf32, #tpu.memory_space<hbm>> -> memref<1x5x5120xf32, #tpu.memory_space<hbm>>
        %dma_start3A_28 = tpu.memref_squeeze %dma_start3A_27 : memref<1x5x5120xf32, #tpu.memory_space<hbm>> -> memref<5x5120xf32, #tpu.memory_space<hbm>>
        %dma_start3A_29 = arith.constant 0 : i32
        %dma_start3A_30 = arith.constant 0 : i32
        %dma_start3A_31 = tpu.memref_slice %arg3[%arg1, %dma_start3A_29, %dma_start3A_30] : memref<16x5x5120xf32, #tpu.memory_space<hbm>> -> memref<1x5x5120xf32, #tpu.memory_space<hbm>>
        %dma_start3A_32 = tpu.memref_squeeze %dma_start3A_31 : memref<1x5x5120xf32, #tpu.memory_space<hbm>> -> memref<5x5120xf32, #tpu.memory_space<hbm>>
        tpu.enqueue_dma source(%dma_start3A_32 : memref<5x5120xf32, #tpu.memory_space<hbm>>) target(%arg9 : memref<5x5120xf32, #tpu.memory_space<vmem>>) target_semaphore(%run_scoped3A : memref<!tpu.dma_semaphore, #tpu.memory_space<semaphore_mem>>)
        %dma_wait3A = arith.constant 0 : i32
        %dma_wait3A_33 = arith.constant 0 : i32
        %dma_wait3A_34 = tpu.memref_slice %arg3[%arg1, %dma_wait3A, %dma_wait3A_33] : memref<16x5x5120xf32, #tpu.memory_space<hbm>> -> memref<1x5x5120xf32, #tpu.memory_space<hbm>>
        %dma_wait3A_35 = tpu.memref_squeeze %dma_wait3A_34 : memref<1x5x5120xf32, #tpu.memory_space<hbm>> -> memref<5x5120xf32, #tpu.memory_space<hbm>>
        %dma_wait3A_36 = arith.constant 0 : i32
        %dma_wait3A_37 = arith.constant 0 : i32
        %dma_wait3A_38 = tpu.memref_slice %arg3[%arg1, %dma_wait3A_36, %dma_wait3A_37] : memref<16x5x5120xf32, #tpu.memory_space<hbm>> -> memref<1x5x5120xf32, #tpu.memory_space<hbm>>
        %dma_wait3A_39 = tpu.memref_squeeze %dma_wait3A_38 : memref<1x5x5120xf32, #tpu.memory_space<hbm>> -> memref<5x5120xf32, #tpu.memory_space<hbm>>
        tpu.wait_dma2 semaphore(%run_scoped3A : memref<!tpu.dma_semaphore, #tpu.memory_space<semaphore_mem>>) src(%dma_wait3A_39 : memref<5x5120xf32, #tpu.memory_space<hbm>>) dst(%arg9 : memref<5x5120xf32, #tpu.memory_space<vmem>>)
        tpu.yield
      }) : () -> ()
      "tpu.region"() ({
        %run_scoped3A = tpu.sem_alloc : memref<!tpu.dma_semaphore, #tpu.memory_space<semaphore_mem>>
        %dma_start3A = arith.constant 0 : i32
        %dma_start3A_26 = tpu.memref_slice %arg4[%arg1, %dma_start3A] : memref<16x128xf32, #tpu.memory_space<hbm>> -> memref<1x128xf32, #tpu.memory_space<hbm>>
        %dma_start3A_27 = tpu.memref_squeeze %dma_start3A_26 : memref<1x128xf32, #tpu.memory_space<hbm>> -> memref<128xf32, #tpu.memory_space<hbm>>
        %dma_start3A_28 = arith.constant 0 : i32
        %dma_start3A_29 = tpu.memref_slice %arg4[%arg1, %dma_start3A_28] : memref<16x128xf32, #tpu.memory_space<hbm>> -> memref<1x128xf32, #tpu.memory_space<hbm>>
        %dma_start3A_30 = tpu.memref_squeeze %dma_start3A_29 : memref<1x128xf32, #tpu.memory_space<hbm>> -> memref<128xf32, #tpu.memory_space<hbm>>
        tpu.enqueue_dma source(%dma_start3A_30 : memref<128xf32, #tpu.memory_space<hbm>>) target(%arg13 : memref<128xf32, #tpu.memory_space<vmem>>) target_semaphore(%run_scoped3A : memref<!tpu.dma_semaphore, #tpu.memory_space<semaphore_mem>>)
        %dma_wait3A = arith.constant 0 : i32
        %dma_wait3A_31 = tpu.memref_slice %arg4[%arg1, %dma_wait3A] : memref<16x128xf32, #tpu.memory_space<hbm>> -> memref<1x128xf32, #tpu.memory_space<hbm>>
        %dma_wait3A_32 = tpu.memref_squeeze %dma_wait3A_31 : memref<1x128xf32, #tpu.memory_space<hbm>> -> memref<128xf32, #tpu.memory_space<hbm>>
        %dma_wait3A_33 = arith.constant 0 : i32
        %dma_wait3A_34 = tpu.memref_slice %arg4[%arg1, %dma_wait3A_33] : memref<16x128xf32, #tpu.memory_space<hbm>> -> memref<1x128xf32, #tpu.memory_space<hbm>>
        %dma_wait3A_35 = tpu.memref_squeeze %dma_wait3A_34 : memref<1x128xf32, #tpu.memory_space<hbm>> -> memref<128xf32, #tpu.memory_space<hbm>>
        tpu.wait_dma2 semaphore(%run_scoped3A : memref<!tpu.dma_semaphore, #tpu.memory_space<semaphore_mem>>) src(%dma_wait3A_35 : memref<128xf32, #tpu.memory_space<hbm>>) dst(%arg13 : memref<128xf32, #tpu.memory_space<vmem>>)
        tpu.yield
      }) : () -> ()
      "tpu.region"() ({
        %run_scoped3A = tpu.sem_alloc : memref<!tpu.dma_semaphore, #tpu.memory_space<semaphore_mem>>
        %dma_start3A = arith.constant 0 : i32
        %dma_start3A_26 = tpu.memref_slice %arg5[%arg1, %dma_start3A] : memref<16x128xi32, #tpu.memory_space<hbm>> -> memref<1x128xi32, #tpu.memory_space<hbm>>
        %dma_start3A_27 = tpu.memref_squeeze %dma_start3A_26 : memref<1x128xi32, #tpu.memory_space<hbm>> -> memref<128xi32, #tpu.memory_space<hbm>>
        %dma_start3A_28 = arith.constant 0 : i32
        %dma_start3A_29 = tpu.memref_slice %arg5[%arg1, %dma_start3A_28] : memref<16x128xi32, #tpu.memory_space<hbm>> -> memref<1x128xi32, #tpu.memory_space<hbm>>
        %dma_start3A_30 = tpu.memref_squeeze %dma_start3A_29 : memref<1x128xi32, #tpu.memory_space<hbm>> -> memref<128xi32, #tpu.memory_space<hbm>>
        tpu.enqueue_dma source(%dma_start3A_30 : memref<128xi32, #tpu.memory_space<hbm>>) target(%arg14 : memref<128xi32, #tpu.memory_space<vmem>>) target_semaphore(%run_scoped3A : memref<!tpu.dma_semaphore, #tpu.memory_space<semaphore_mem>>)
        %dma_wait3A = arith.constant 0 : i32
        %dma_wait3A_31 = tpu.memref_slice %arg5[%arg1, %dma_wait3A] : memref<16x128xi32, #tpu.memory_space<hbm>> -> memref<1x128xi32, #tpu.memory_space<hbm>>
        %dma_wait3A_32 = tpu.memref_squeeze %dma_wait3A_31 : memref<1x128xi32, #tpu.memory_space<hbm>> -> memref<128xi32, #tpu.memory_space<hbm>>
        %dma_wait3A_33 = arith.constant 0 : i32
        %dma_wait3A_34 = tpu.memref_slice %arg5[%arg1, %dma_wait3A_33] : memref<16x128xi32, #tpu.memory_space<hbm>> -> memref<1x128xi32, #tpu.memory_space<hbm>>
        %dma_wait3A_35 = tpu.memref_squeeze %dma_wait3A_34 : memref<1x128xi32, #tpu.memory_space<hbm>> -> memref<128xi32, #tpu.memory_space<hbm>>
        tpu.wait_dma2 semaphore(%run_scoped3A : memref<!tpu.dma_semaphore, #tpu.memory_space<semaphore_mem>>) src(%dma_wait3A_35 : memref<128xi32, #tpu.memory_space<hbm>>) dst(%arg14 : memref<128xi32, #tpu.memory_space<vmem>>)
        tpu.yield
      }) : () -> ()
      %get3A = arith.constant 0 : index
      %get3A_3 = tpu.vector_load %arg13[%get3A] {strides = array<i32>} : memref<128xf32, #tpu.memory_space<vmem>>, vector<16xf32>,
      %get3A_4 = arith.constant 0 : index
      %get3A_5 = tpu.vector_load %arg14[%get3A_4] {strides = array<i32>} : memref<128xi32, #tpu.memory_space<vmem>>, vector<16xi32>,
      %iota3A = tpu.iota {dimensions = array<i32: 0>} : vector<16xi32>
      %scan3A = arith.constant 0 : i32
      %scan3A_6 = arith.constant 0 : i32
      %scan3A_7 = arith.constant 64 : i32
      %scan3A_8 = arith.addi %scan3A_6, %scan3A_7 : i32
      %scan3A_9 = arith.constant 1 : i32
      scf.for %scan3A_26 = %scan3A_6 to %scan3A_8 step %scan3A_9  : i32 {
        %broadcast_in_dim3A_27 = arith.constant 0 : i32
        %broadcast_in_dim3A_28 = vector.broadcast %broadcast_in_dim3A_27 : i32 to vector<16xi32>
        %mul3A = arith.constant 16 : i32
        %mul3A_29 = arith.muli %scan3A_26, %mul3A : i32
        %swap3A = arith.index_cast %mul3A_29 : i32 to index
        %swap3A_30 = tpu.vector_load %arg10[%swap3A] {strides = array<i32>} : memref<1024xi32, #tpu.memory_space<vmem>>, vector<16xi32>,
        tpu.vector_store %arg10[%swap3A], %broadcast_in_dim3A_28 {strides = array<i32>} : memref<1024xi32, #tpu.memory_space<vmem>>, vector<16xi32>,
        %broadcast_in_dim3A_31 = arith.constant -2.000000e+00 : f32
        %broadcast_in_dim3A_32 = vector.broadcast %broadcast_in_dim3A_31 : f32 to vector<16xf32>
        %mul3A_33 = arith.constant 16 : i32
        %mul3A_34 = arith.muli %scan3A_26, %mul3A_33 : i32
        %swap3A_35 = arith.index_cast %mul3A_34 : i32 to index
        %swap3A_36 = tpu.vector_load %arg11[%swap3A_35] {strides = array<i32>} : memref<1024xf32, #tpu.memory_space<vmem>>, vector<16xf32>,
        tpu.vector_store %arg11[%swap3A_35], %broadcast_in_dim3A_32 {strides = array<i32>} : memref<1024xf32, #tpu.memory_space<vmem>>, vector<16xf32>,
      }
      %scan3A_10 = arith.constant 64 : i32
      %broadcast_in_dim3A = arith.constant 0 : i32
      %broadcast_in_dim3A_11 = vector.broadcast %broadcast_in_dim3A : i32 to vector<16xi32>
      %broadcast_in_dim3A_12 = arith.constant 0 : i32
      %broadcast_in_dim3A_13 = vector.broadcast %broadcast_in_dim3A_12 : i32 to vector<16xi32>
      %scan3A_14 = arith.constant 0 : i32
      %scan3A_15 = arith.constant 320 : i32
      %scan3A_16 = arith.addi %scan3A_14, %scan3A_15 : i32
      %scan3A_17 = arith.constant 1 : i32
      %scan3A_18:2 = scf.for %scan3A_26 = %scan3A_14 to %scan3A_16 step %scan3A_17 iter_args(%scan3A_27 = %broadcast_in_dim3A_11, %scan3A_28 = %broadcast_in_dim3A_13) -> (vector<16xi32>, vector<16xi32>)  : i32 {
        %mul3A = arith.constant 16 : i32
        %mul3A_29 = arith.muli %scan3A_26, %mul3A : i32
        %get3A_30 = arith.index_cast %mul3A_29 : i32 to index
        %get3A_31 = tpu.vector_load %arg8[%get3A_30] {strides = array<i32>} : memref<5120xf32, #tpu.memory_space<vmem>>, vector<16xf32>,
        %gt3A = arith.cmpf ogt, %get3A_31, %get3A_3 : vector<16xf32>
        %eq3A_32 = arith.cmpf oeq, %get3A_31, %get3A_3 : vector<16xf32>
        %broadcast_in_dim3A_33 = arith.constant 1 : i32
        %broadcast_in_dim3A_34 = vector.broadcast %broadcast_in_dim3A_33 : i32 to vector<16xi32>
        %broadcast_in_dim3A_35 = arith.constant 0 : i32
        %broadcast_in_dim3A_36 = vector.broadcast %broadcast_in_dim3A_35 : i32 to vector<16xi32>
        %select_n3A = arith.select %eq3A_32, %broadcast_in_dim3A_34, %broadcast_in_dim3A_36 : vector<16xi1>, vector<16xi32>
        %cumsum3A = arith.constant true
        %cumsum3A_37 = vector.broadcast %cumsum3A : i1 to vector<16xi1>
        %cumsum3A_38 = tpu.scan <sum>, %select_n3A masked %cumsum3A_37 : vector<16xi32>, vector<16xi1> -> vector<16xi32>
        %add3A = arith.addi %scan3A_28, %cumsum3A_38 : vector<16xi32>
        %le3A = arith.cmpi sle, %add3A, %get3A_5 : vector<16xi32>
        %and3A_39 = arith.andi %eq3A_32, %le3A : vector<16xi1>
        %or3A = arith.ori %gt3A, %and3A_39 : vector<16xi1>
        %select_n3A_40 = arith.select %or3A, %broadcast_in_dim3A_34, %broadcast_in_dim3A_36 : vector<16xi1>, vector<16xi32>
        %cumsum3A_41 = arith.constant true
        %cumsum3A_42 = vector.broadcast %cumsum3A_41 : i1 to vector<16xi1>
        %cumsum3A_43 = tpu.scan <sum>, %select_n3A_40 masked %cumsum3A_42 : vector<16xi32>, vector<16xi1> -> vector<16xi32>
        %add3A_44 = arith.addi %scan3A_27, %cumsum3A_43 : vector<16xi32>
        %sub3A = arith.subi %add3A_44, %broadcast_in_dim3A_34 : vector<16xi32>
        %select_n3A_45 = arith.select %or3A, %sub3A, %broadcast_in_dim3A_36 : vector<16xi1>, vector<16xi32>
        %mul3A_46 = arith.constant 16 : i32
        %mul3A_47 = arith.muli %scan3A_26, %mul3A_46 : i32
        %broadcast_in_dim3A_48 = vector.broadcast %mul3A_47 : i32 to vector<16xi32>
        %add3A_49 = arith.addi %broadcast_in_dim3A_48, %iota3A : vector<16xi32>
        tpu.vector_store_idx %arg10[%select_n3A_45], %add3A_49 masked %or3A : memref<1024xi32, #tpu.memory_space<vmem>>[vector<16xi32>], vector<16xi32>, vector<16xi1>
        tpu.vector_store_idx %arg11[%select_n3A_45], %get3A_31 masked %or3A : memref<1024xf32, #tpu.memory_space<vmem>>[vector<16xi32>], vector<16xf32>, vector<16xi1>
        %all_reduce_population_count3A = tpu.all_reduce %or3A {dim = 0 : i64, kind = #tpu.reduction_kind<sum>} : vector<16xi1> -> vector<16xi32>
        %add3A_50 = arith.addi %scan3A_27, %all_reduce_population_count3A : vector<16xi32>
        %all_reduce_population_count3A_51 = tpu.all_reduce %eq3A_32 {dim = 0 : i64, kind = #tpu.reduction_kind<sum>} : vector<16xi1> -> vector<16xi32>
        %add3A_52 = arith.addi %scan3A_28, %all_reduce_population_count3A_51 : vector<16xi32>
        scf.yield %add3A_50, %add3A_52 : vector<16xi32>, vector<16xi32>
      }
      %scan3A_19 = arith.constant 320 : i32
      %scan3A_20 = arith.constant 0 : i32
      %scan3A_21 = arith.constant 0 : i32
      %scan3A_22 = arith.constant 64 : i32
      %scan3A_23 = arith.addi %scan3A_21, %scan3A_22 : i32
      %scan3A_24 = arith.constant 1 : i32
      scf.for %scan3A_26 = %scan3A_21 to %scan3A_23 step %scan3A_24  : i32 {
        %mul3A = arith.constant 16 : i32
        %mul3A_27 = arith.muli %scan3A_26, %mul3A : i32
        %broadcast_in_dim3A_28 = vector.broadcast %mul3A_27 : i32 to vector<16xi32>
        %add3A = arith.addi %broadcast_in_dim3A_28, %iota3A : vector<16xi32>
        %mul3A_29 = arith.constant 16 : i32
        %mul3A_30 = arith.muli %scan3A_26, %mul3A_29 : i32
        %get3A_31 = arith.index_cast %mul3A_30 : i32 to index
        %get3A_32 = tpu.vector_load %arg10[%get3A_31] {strides = array<i32>} : memref<1024xi32, #tpu.memory_space<vmem>>, vector<16xi32>,
        %broadcast_in_dim3A_33 = arith.constant 0 : i32
        %broadcast_in_dim3A_34 = vector.broadcast %broadcast_in_dim3A_33 : i32 to vector<16xi32>
        %gather3A = tpu.vector_load_idx %arg9[%broadcast_in_dim3A_34, %get3A_32] : memref<5x5120xf32, #tpu.memory_space<vmem>>[vector<16xi32>, vector<16xi32>], vector<16xf32>,
        tpu.vector_store_idx %arg12[%broadcast_in_dim3A_34, %add3A], %gather3A : memref<5x1024xf32, #tpu.memory_space<vmem>>[vector<16xi32>, vector<16xi32>], vector<16xf32>,
        %broadcast_in_dim3A_35 = arith.constant 1 : i32
        %broadcast_in_dim3A_36 = vector.broadcast %broadcast_in_dim3A_35 : i32 to vector<16xi32>
        %gather3A_37 = tpu.vector_load_idx %arg9[%broadcast_in_dim3A_36, %get3A_32] : memref<5x5120xf32, #tpu.memory_space<vmem>>[vector<16xi32>, vector<16xi32>], vector<16xf32>,
        tpu.vector_store_idx %arg12[%broadcast_in_dim3A_36, %add3A], %gather3A_37 : memref<5x1024xf32, #tpu.memory_space<vmem>>[vector<16xi32>, vector<16xi32>], vector<16xf32>,
        %broadcast_in_dim3A_38 = arith.constant 2 : i32
        %broadcast_in_dim3A_39 = vector.broadcast %broadcast_in_dim3A_38 : i32 to vector<16xi32>
        %gather3A_40 = tpu.vector_load_idx %arg9[%broadcast_in_dim3A_39, %get3A_32] : memref<5x5120xf32, #tpu.memory_space<vmem>>[vector<16xi32>, vector<16xi32>], vector<16xf32>,
        tpu.vector_store_idx %arg12[%broadcast_in_dim3A_39, %add3A], %gather3A_40 : memref<5x1024xf32, #tpu.memory_space<vmem>>[vector<16xi32>, vector<16xi32>], vector<16xf32>,
        %broadcast_in_dim3A_41 = arith.constant 3 : i32
        %broadcast_in_dim3A_42 = vector.broadcast %broadcast_in_dim3A_41 : i32 to vector<16xi32>
        %gather3A_43 = tpu.vector_load_idx %arg9[%broadcast_in_dim3A_42, %get3A_32] : memref<5x5120xf32, #tpu.memory_space<vmem>>[vector<16xi32>, vector<16xi32>], vector<16xf32>,
        tpu.vector_store_idx %arg12[%broadcast_in_dim3A_42, %add3A], %gather3A_43 : memref<5x1024xf32, #tpu.memory_space<vmem>>[vector<16xi32>, vector<16xi32>], vector<16xf32>,
        %broadcast_in_dim3A_44 = arith.constant 4 : i32
        %broadcast_in_dim3A_45 = vector.broadcast %broadcast_in_dim3A_44 : i32 to vector<16xi32>
        %gather3A_46 = tpu.vector_load_idx %arg9[%broadcast_in_dim3A_45, %get3A_32] : memref<5x5120xf32, #tpu.memory_space<vmem>>[vector<16xi32>, vector<16xi32>], vector<16xf32>,
        tpu.vector_store_idx %arg12[%broadcast_in_dim3A_45, %add3A], %gather3A_46 : memref<5x1024xf32, #tpu.memory_space<vmem>>[vector<16xi32>, vector<16xi32>], vector<16xf32>,
      }
      %scan3A_25 = arith.constant 64 : i32
      "tpu.region"() ({
        %run_scoped3A = tpu.sem_alloc : memref<!tpu.dma_semaphore, #tpu.memory_space<semaphore_mem>>
        %dma_start3A = arith.constant 0 : i32
        %dma_start3A_26 = tpu.memref_slice %arg6[%arg1, %dma_start3A] : memref<16x1024xf32, #tpu.memory_space<hbm>> -> memref<1x1024xf32, #tpu.memory_space<hbm>>
        %dma_start3A_27 = tpu.memref_squeeze %dma_start3A_26 : memref<1x1024xf32, #tpu.memory_space<hbm>> -> memref<1024xf32, #tpu.memory_space<hbm>>
        %dma_start3A_28 = arith.constant 0 : i32
        %dma_start3A_29 = tpu.memref_slice %arg6[%arg1, %dma_start3A_28] : memref<16x1024xf32, #tpu.memory_space<hbm>> -> memref<1x1024xf32, #tpu.memory_space<hbm>>
        %dma_start3A_30 = tpu.memref_squeeze %dma_start3A_29 : memref<1x1024xf32, #tpu.memory_space<hbm>> -> memref<1024xf32, #tpu.memory_space<hbm>>
        tpu.enqueue_dma source(%arg11 : memref<1024xf32, #tpu.memory_space<vmem>>) target(%dma_start3A_30 : memref<1024xf32, #tpu.memory_space<hbm>>) target_semaphore(%run_scoped3A : memref<!tpu.dma_semaphore, #tpu.memory_space<semaphore_mem>>)
        %dma_wait3A = arith.constant 0 : i32
        %dma_wait3A_31 = tpu.memref_slice %arg6[%arg1, %dma_wait3A] : memref<16x1024xf32, #tpu.memory_space<hbm>> -> memref<1x1024xf32, #tpu.memory_space<hbm>>
        %dma_wait3A_32 = tpu.memref_squeeze %dma_wait3A_31 : memref<1x1024xf32, #tpu.memory_space<hbm>> -> memref<1024xf32, #tpu.memory_space<hbm>>
        %dma_wait3A_33 = arith.constant 0 : i32
        %dma_wait3A_34 = tpu.memref_slice %arg6[%arg1, %dma_wait3A_33] : memref<16x1024xf32, #tpu.memory_space<hbm>> -> memref<1x1024xf32, #tpu.memory_space<hbm>>
        %dma_wait3A_35 = tpu.memref_squeeze %dma_wait3A_34 : memref<1x1024xf32, #tpu.memory_space<hbm>> -> memref<1024xf32, #tpu.memory_space<hbm>>
        tpu.wait_dma2 semaphore(%run_scoped3A : memref<!tpu.dma_semaphore, #tpu.memory_space<semaphore_mem>>) src(%arg11 : memref<1024xf32, #tpu.memory_space<vmem>>) dst(%dma_wait3A_35 : memref<1024xf32, #tpu.memory_space<hbm>>)
        tpu.yield
      }) : () -> ()
      "tpu.region"() ({
        %run_scoped3A = tpu.sem_alloc : memref<!tpu.dma_semaphore, #tpu.memory_space<semaphore_mem>>
        %dma_start3A = arith.constant 0 : i32
        %dma_start3A_26 = arith.constant 0 : i32
        %dma_start3A_27 = tpu.memref_slice %arg7[%arg1, %dma_start3A, %dma_start3A_26] : memref<16x5x1024xf32, #tpu.memory_space<hbm>> -> memref<1x5x1024xf32, #tpu.memory_space<hbm>>
        %dma_start3A_28 = tpu.memref_squeeze %dma_start3A_27 : memref<1x5x1024xf32, #tpu.memory_space<hbm>> -> memref<5x1024xf32, #tpu.memory_space<hbm>>
        %dma_start3A_29 = arith.constant 0 : i32
        %dma_start3A_30 = arith.constant 0 : i32
        %dma_start3A_31 = tpu.memref_slice %arg7[%arg1, %dma_start3A_29, %dma_start3A_30] : memref<16x5x1024xf32, #tpu.memory_space<hbm>> -> memref<1x5x1024xf32, #tpu.memory_space<hbm>>
        %dma_start3A_32 = tpu.memref_squeeze %dma_start3A_31 : memref<1x5x1024xf32, #tpu.memory_space<hbm>> -> memref<5x1024xf32, #tpu.memory_space<hbm>>
        tpu.enqueue_dma source(%arg12 : memref<5x1024xf32, #tpu.memory_space<vmem>>) target(%dma_start3A_32 : memref<5x1024xf32, #tpu.memory_space<hbm>>) target_semaphore(%run_scoped3A : memref<!tpu.dma_semaphore, #tpu.memory_space<semaphore_mem>>)
        %dma_wait3A = arith.constant 0 : i32
        %dma_wait3A_33 = arith.constant 0 : i32
        %dma_wait3A_34 = tpu.memref_slice %arg7[%arg1, %dma_wait3A, %dma_wait3A_33] : memref<16x5x1024xf32, #tpu.memory_space<hbm>> -> memref<1x5x1024xf32, #tpu.memory_space<hbm>>
        %dma_wait3A_35 = tpu.memref_squeeze %dma_wait3A_34 : memref<1x5x1024xf32, #tpu.memory_space<hbm>> -> memref<5x1024xf32, #tpu.memory_space<hbm>>
        %dma_wait3A_36 = arith.constant 0 : i32
        %dma_wait3A_37 = arith.constant 0 : i32
        %dma_wait3A_38 = tpu.memref_slice %arg7[%arg1, %dma_wait3A_36, %dma_wait3A_37] : memref<16x5x1024xf32, #tpu.memory_space<hbm>> -> memref<1x5x1024xf32, #tpu.memory_space<hbm>>
        %dma_wait3A_39 = tpu.memref_squeeze %dma_wait3A_38 : memref<1x5x1024xf32, #tpu.memory_space<hbm>> -> memref<5x1024xf32, #tpu.memory_space<hbm>>
        tpu.wait_dma2 semaphore(%run_scoped3A : memref<!tpu.dma_semaphore, #tpu.memory_space<semaphore_mem>>) src(%arg12 : memref<5x1024xf32, #tpu.memory_space<vmem>>) dst(%dma_wait3A_39 : memref<5x1024xf32, #tpu.memory_space<hbm>>)
        tpu.yield
      }) : () -> ()
    } else {
    }
    return
  }
}

module attributes {stable_mosaic.version = 14 : i64} {
  func.func @_tau_body(%arg0: memref<16x5120xf32, #tpu.memory_space<vmem>>, %arg1: memref<16x128xf32, #tpu.memory_space<vmem>>, %arg2: memref<16x128xi32, #tpu.memory_space<vmem>>) attributes {dimension_semantics = [], scalar_prefetch = 0 : i64, scratch_operands = 0 : i64, tpu.core_type = #tpu.core_type<tc>} {
    %get3A = arith.constant 0 : index
    %get3A_0 = arith.constant 0 : index
    %get3A_1 = vector.load %arg0[%get3A, %get3A_0] : memref<16x5120xf32, #tpu.memory_space<vmem>>, vector<16x5120xf32>
    %bitcast_convert_type3A = tpu.bitcast %get3A_1 : vector<16x5120xf32> -> vector<16x5120xi32>
    %broadcast_in_dim3A = arith.constant 0 : i32
    %broadcast_in_dim3A_2 = vector.broadcast %broadcast_in_dim3A : i32 to vector<16x1xi32>
    %scan3A = arith.constant 0 : i32
    %scan3A_3 = arith.constant 31 : i32
    %scan3A_4 = arith.addi %scan3A, %scan3A_3 : i32
    %scan3A_5 = arith.constant 1 : i32
    %scan3A_6 = scf.for %scan3A_26 = %scan3A to %scan3A_4 step %scan3A_5 iter_args(%scan3A_27 = %broadcast_in_dim3A_2) -> (vector<16x1xi32>)  : i32 {
      %sub3A_28 = arith.constant 30 : i32
      %sub3A_29 = arith.subi %sub3A_28, %scan3A_26 : i32
      %shift_left3A = arith.constant 1 : i32
      %shift_left3A_30 = arith.shli %shift_left3A, %sub3A_29 : i32
      %or3A = vector.broadcast %shift_left3A_30 : i32 to vector<16x1xi32>
      %or3A_31 = arith.ori %scan3A_27, %or3A : vector<16x1xi32>
      %ge3A = vector.broadcast %or3A_31 : vector<16x1xi32> to vector<16x5120xi32>
      %ge3A_32 = arith.cmpi sge, %bitcast_convert_type3A, %ge3A : vector<16x5120xi32>
      %jit3A_33 = arith.constant 1 : i32
      %jit3A_34 = arith.constant 0 : i32
      %broadcast_in_dim3A_35 = vector.broadcast %jit3A_33 : i32 to vector<16x5120xi32>
      %broadcast_in_dim3A_36 = vector.broadcast %jit3A_34 : i32 to vector<16x5120xi32>
      %select_n3A_37 = arith.select %ge3A_32, %broadcast_in_dim3A_35, %broadcast_in_dim3A_36 : vector<16x5120xi1>, vector<16x5120xi32>
      %reduce_sum3A_38 = arith.constant dense<0> : vector<16xi32>
      %reduce_sum3A_39 = vector.multi_reduction <add>, %select_n3A_37, %reduce_sum3A_38 [1] : vector<16x5120xi32> to vector<16xi32>
      %broadcast_in_dim3A_40 = vector.shape_cast %reduce_sum3A_39 : vector<16xi32> to vector<16x1xi32>
      %ge3A_41 = arith.constant 1000 : i32
      %ge3A_42 = vector.broadcast %ge3A_41 : i32 to vector<16x1xi32>
      %ge3A_43 = arith.cmpi sge, %broadcast_in_dim3A_40, %ge3A_42 : vector<16x1xi32>
      %select_n3A_44 = arith.select %ge3A_43, %or3A_31, %scan3A_27 : vector<16x1xi1>, vector<16x1xi32>
      scf.yield %select_n3A_44 : vector<16x1xi32>
    }
    %scan3A_7 = arith.constant 31 : i32
    %gt3A = vector.broadcast %scan3A_6 : vector<16x1xi32> to vector<16x5120xi32>
    %gt3A_8 = arith.cmpi sgt, %bitcast_convert_type3A, %gt3A : vector<16x5120xi32>
    %jit3A = arith.constant 1 : i32
    %jit3A_9 = arith.constant 0 : i32
    %broadcast_in_dim3A_10 = vector.broadcast %jit3A : i32 to vector<16x5120xi32>
    %broadcast_in_dim3A_11 = vector.broadcast %jit3A_9 : i32 to vector<16x5120xi32>
    %select_n3A = arith.select %gt3A_8, %broadcast_in_dim3A_10, %broadcast_in_dim3A_11 : vector<16x5120xi1>, vector<16x5120xi32>
    %reduce_sum3A = arith.constant dense<0> : vector<16xi32>
    %reduce_sum3A_12 = vector.multi_reduction <add>, %select_n3A, %reduce_sum3A [1] : vector<16x5120xi32> to vector<16xi32>
    %broadcast_in_dim3A_13 = vector.shape_cast %reduce_sum3A_12 : vector<16xi32> to vector<16x1xi32>
    %bitcast_convert_type3A_14 = tpu.bitcast %scan3A_6 : vector<16x1xi32> -> vector<16x1xf32>
    %broadcast_in_dim3A_15 = vector.shape_cast %bitcast_convert_type3A_14 : vector<16x1xf32> to vector<16x1xf32>
    %broadcast_in_dim3A_16 = vector.broadcast %broadcast_in_dim3A_15 : vector<16x1xf32> to vector<16x128xf32>
    %swap3A = arith.constant 0 : index
    %swap3A_17 = arith.constant 0 : index
    %swap3A_18 = vector.load %arg1[%swap3A, %swap3A_17] : memref<16x128xf32, #tpu.memory_space<vmem>>, vector<16x128xf32>
    tpu.vector_store %arg1[%swap3A, %swap3A_17], %broadcast_in_dim3A_16 {strides = array<i32>} : memref<16x128xf32, #tpu.memory_space<vmem>>, vector<16x128xf32>,
    %sub3A = arith.constant 1000 : i32
    %sub3A_19 = vector.broadcast %sub3A : i32 to vector<16x1xi32>
    %sub3A_20 = arith.subi %sub3A_19, %broadcast_in_dim3A_13 : vector<16x1xi32>
    %broadcast_in_dim3A_21 = vector.shape_cast %sub3A_20 : vector<16x1xi32> to vector<16x1xi32>
    %broadcast_in_dim3A_22 = vector.broadcast %broadcast_in_dim3A_21 : vector<16x1xi32> to vector<16x128xi32>
    %swap3A_23 = arith.constant 0 : index
    %swap3A_24 = arith.constant 0 : index
    %swap3A_25 = vector.load %arg2[%swap3A_23, %swap3A_24] : memref<16x128xi32, #tpu.memory_space<vmem>>, vector<16x128xi32>
    tpu.vector_store %arg2[%swap3A_23, %swap3A_24], %broadcast_in_dim3A_22 {strides = array<i32>} : memref<16x128xi32, #tpu.memory_space<vmem>>, vector<16x128xi32>,
    return
  }
}

module attributes {stable_mosaic.version = 14 : i64} {
  func.func @_nms_body(%arg0: i32, %arg1: memref<1x1024x4xf32, #tpu.memory_space<vmem>>, %arg2: memref<1x1024x4xf32, #tpu.memory_space<vmem>>, %arg3: memref<1x4x1024xf32, #tpu.memory_space<vmem>>, %arg4: memref<1x4x1024xf32, #tpu.memory_space<vmem>>, %arg5: memref<1x1x1024xf32, #tpu.memory_space<vmem>>, %arg6: memref<1024x1024xbf16, #tpu.memory_space<vmem>>) attributes {dimension_semantics = [#tpu.dimension_semantics<arbitrary>], iteration_bounds = array<i64: 15>, scalar_prefetch = 0 : i64, scratch_operands = 1 : i64, tpu.core_type = #tpu.core_type<tc>, window_params = [{transform_indices = @transform_0, window_bounds = array<i64: 1, 1024, 4>}, {transform_indices = @transform_1, window_bounds = array<i64: 1, 1024, 4>}, {transform_indices = @transform_2, window_bounds = array<i64: 1, 4, 1024>}, {transform_indices = @transform_3, window_bounds = array<i64: 1, 4, 1024>}, {transform_indices = @transform_4, window_bounds = array<i64: 1, 1, 1024>}]} {
    %get3A = arith.constant 0 : index
    %get3A_0 = arith.constant 0 : index
    %get3A_1 = arith.constant 0 : index
    %get3A_2 = vector.load %arg1[%get3A, %get3A_0, %get3A_1] : memref<1x1024x4xf32, #tpu.memory_space<vmem>>, vector<1x1024x1xf32>
    %get3A_3 = vector.shape_cast %get3A_2 : vector<1x1024x1xf32> to vector<1024x1xf32>
    %get3A_4 = arith.constant 0 : index
    %get3A_5 = arith.constant 0 : index
    %get3A_6 = arith.constant 1 : index
    %get3A_7 = vector.load %arg1[%get3A_4, %get3A_5, %get3A_6] : memref<1x1024x4xf32, #tpu.memory_space<vmem>>, vector<1x1024x1xf32>
    %get3A_8 = vector.shape_cast %get3A_7 : vector<1x1024x1xf32> to vector<1024x1xf32>
    %get3A_9 = arith.constant 0 : index
    %get3A_10 = arith.constant 0 : index
    %get3A_11 = arith.constant 2 : index
    %get3A_12 = vector.load %arg1[%get3A_9, %get3A_10, %get3A_11] : memref<1x1024x4xf32, #tpu.memory_space<vmem>>, vector<1x1024x1xf32>
    %get3A_13 = vector.shape_cast %get3A_12 : vector<1x1024x1xf32> to vector<1024x1xf32>
    %get3A_14 = arith.constant 0 : index
    %get3A_15 = arith.constant 0 : index
    %get3A_16 = arith.constant 3 : index
    %get3A_17 = vector.load %arg1[%get3A_14, %get3A_15, %get3A_16] : memref<1x1024x4xf32, #tpu.memory_space<vmem>>, vector<1x1024x1xf32>
    %get3A_18 = vector.shape_cast %get3A_17 : vector<1x1024x1xf32> to vector<1024x1xf32>
    %get3A_19 = arith.constant 0 : index
    %get3A_20 = arith.constant 0 : index
    %get3A_21 = arith.constant 0 : index
    %get3A_22 = vector.load %arg2[%get3A_19, %get3A_20, %get3A_21] : memref<1x1024x4xf32, #tpu.memory_space<vmem>>, vector<1x1024x1xf32>
    %get3A_23 = vector.shape_cast %get3A_22 : vector<1x1024x1xf32> to vector<1024x1xf32>
    %get3A_24 = arith.constant 0 : index
    %get3A_25 = arith.constant 0 : index
    %get3A_26 = arith.constant 1 : index
    %get3A_27 = vector.load %arg2[%get3A_24, %get3A_25, %get3A_26] : memref<1x1024x4xf32, #tpu.memory_space<vmem>>, vector<1x1024x1xf32>
    %get3A_28 = vector.shape_cast %get3A_27 : vector<1x1024x1xf32> to vector<1024x1xf32>
    %get3A_29 = arith.constant 0 : index
    %get3A_30 = arith.constant 0 : index
    %get3A_31 = arith.constant 0 : index
    %get3A_32 = vector.load %arg3[%get3A_29, %get3A_30, %get3A_31] : memref<1x4x1024xf32, #tpu.memory_space<vmem>>, vector<1x1x1024xf32>
    %get3A_33 = vector.shape_cast %get3A_32 : vector<1x1x1024xf32> to vector<1x1024xf32>
    %get3A_34 = arith.constant 0 : index
    %get3A_35 = arith.constant 1 : index
    %get3A_36 = arith.constant 0 : index
    %get3A_37 = vector.load %arg3[%get3A_34, %get3A_35, %get3A_36] : memref<1x4x1024xf32, #tpu.memory_space<vmem>>, vector<1x1x1024xf32>
    %get3A_38 = vector.shape_cast %get3A_37 : vector<1x1x1024xf32> to vector<1x1024xf32>
    %get3A_39 = arith.constant 0 : index
    %get3A_40 = arith.constant 2 : index
    %get3A_41 = arith.constant 0 : index
    %get3A_42 = vector.load %arg3[%get3A_39, %get3A_40, %get3A_41] : memref<1x4x1024xf32, #tpu.memory_space<vmem>>, vector<1x1x1024xf32>
    %get3A_43 = vector.shape_cast %get3A_42 : vector<1x1x1024xf32> to vector<1x1024xf32>
    %get3A_44 = arith.constant 0 : index
    %get3A_45 = arith.constant 3 : index
    %get3A_46 = arith.constant 0 : index
    %get3A_47 = vector.load %arg3[%get3A_44, %get3A_45, %get3A_46] : memref<1x4x1024xf32, #tpu.memory_space<vmem>>, vector<1x1x1024xf32>
    %get3A_48 = vector.shape_cast %get3A_47 : vector<1x1x1024xf32> to vector<1x1024xf32>
    %get3A_49 = arith.constant 0 : index
    %get3A_50 = arith.constant 0 : index
    %get3A_51 = arith.constant 0 : index
    %get3A_52 = vector.load %arg4[%get3A_49, %get3A_50, %get3A_51] : memref<1x4x1024xf32, #tpu.memory_space<vmem>>, vector<1x1x1024xf32>
    %get3A_53 = vector.shape_cast %get3A_52 : vector<1x1x1024xf32> to vector<1x1024xf32>
    %get3A_54 = arith.constant 0 : index
    %get3A_55 = arith.constant 1 : index
    %get3A_56 = arith.constant 0 : index
    %get3A_57 = vector.load %arg4[%get3A_54, %get3A_55, %get3A_56] : memref<1x4x1024xf32, #tpu.memory_space<vmem>>, vector<1x1x1024xf32>
    %get3A_58 = vector.shape_cast %get3A_57 : vector<1x1x1024xf32> to vector<1x1024xf32>
    %min3A = vector.broadcast %get3A_8 : vector<1024x1xf32> to vector<1024x1024xf32>
    %min3A_59 = vector.broadcast %get3A_38 : vector<1x1024xf32> to vector<1024x1024xf32>
    %min3A_60 = arith.minimumf %min3A, %min3A_59 : vector<1024x1024xf32>
    %max3A = vector.broadcast %get3A_3 : vector<1024x1xf32> to vector<1024x1024xf32>
    %max3A_61 = vector.broadcast %get3A_33 : vector<1x1024xf32> to vector<1024x1024xf32>
    %max3A_62 = arith.maximumf %max3A, %max3A_61 : vector<1024x1024xf32>
    %sub3A = arith.subf %min3A_60, %max3A_62 : vector<1024x1024xf32>
    %max3A_63 = arith.constant 0.000000e+00 : f32
    %max3A_64 = vector.broadcast %max3A_63 : f32 to vector<1024x1024xf32>
    %max3A_65 = arith.maximumf %sub3A, %max3A_64 : vector<1024x1024xf32>
    %min3A_66 = vector.broadcast %get3A_28 : vector<1024x1xf32> to vector<1024x1024xf32>
    %min3A_67 = vector.broadcast %get3A_58 : vector<1x1024xf32> to vector<1024x1024xf32>
    %min3A_68 = arith.minimumf %min3A_66, %min3A_67 : vector<1024x1024xf32>
    %max3A_69 = vector.broadcast %get3A_23 : vector<1024x1xf32> to vector<1024x1024xf32>
    %max3A_70 = vector.broadcast %get3A_53 : vector<1x1024xf32> to vector<1024x1024xf32>
    %max3A_71 = arith.maximumf %max3A_69, %max3A_70 : vector<1024x1024xf32>
    %sub3A_72 = arith.subf %min3A_68, %max3A_71 : vector<1024x1024xf32>
    %max3A_73 = arith.constant 0.000000e+00 : f32
    %max3A_74 = vector.broadcast %max3A_73 : f32 to vector<1024x1024xf32>
    %max3A_75 = arith.maximumf %sub3A_72, %max3A_74 : vector<1024x1024xf32>
    %mul3A = arith.mulf %max3A_65, %max3A_75 : vector<1024x1024xf32>
    %add3A = vector.broadcast %get3A_13 : vector<1024x1xf32> to vector<1024x1024xf32>
    %add3A_76 = vector.broadcast %get3A_43 : vector<1x1024xf32> to vector<1024x1024xf32>
    %add3A_77 = arith.addf %add3A, %add3A_76 : vector<1024x1024xf32>
    %sub3A_78 = arith.subf %add3A_77, %mul3A : vector<1024x1024xf32>
    %add3A_79 = arith.constant 9.99999971E-10 : f32
    %add3A_80 = vector.broadcast %add3A_79 : f32 to vector<1024x1024xf32>
    %add3A_81 = arith.addf %sub3A_78, %add3A_80 : vector<1024x1024xf32>
    %div3A = arith.divf %mul3A, %add3A_81 : vector<1024x1024xf32>
    %gt3A = arith.constant 5.000000e-01 : f32
    %gt3A_82 = vector.broadcast %gt3A : f32 to vector<1024x1024xf32>
    %gt3A_83 = arith.cmpf ogt, %div3A, %gt3A_82 : vector<1024x1024xf32>
    %iota3A = tpu.iota {dimensions = array<i32: 0>} : vector<1024x1024xi32>
    %iota3A_84 = tpu.iota {dimensions = array<i32: 1>} : vector<1024x1024xi32>
    %gt3A_85 = vector.broadcast %get3A_18 : vector<1024x1xf32> to vector<1024x1024xf32>
    %gt3A_86 = vector.broadcast %get3A_48 : vector<1x1024xf32> to vector<1024x1024xf32>
    %gt3A_87 = arith.cmpf ogt, %gt3A_85, %gt3A_86 : vector<1024x1024xf32>
    %eq3A = vector.broadcast %get3A_18 : vector<1024x1xf32> to vector<1024x1024xf32>
    %eq3A_88 = vector.broadcast %get3A_48 : vector<1x1024xf32> to vector<1024x1024xf32>
    %eq3A_89 = arith.cmpf oeq, %eq3A, %eq3A_88 : vector<1024x1024xf32>
    %lt3A = arith.cmpi slt, %iota3A, %iota3A_84 : vector<1024x1024xi32>
    %and3A = arith.andi %eq3A_89, %lt3A : vector<1024x1024xi1>
    %or3A = arith.ori %gt3A_87, %and3A : vector<1024x1024xi1>
    %and3A_90 = arith.andi %gt3A_83, %or3A : vector<1024x1024xi1>
    %jit3A = arith.constant 1.000000e+00 : f32
    %jit3A_91 = arith.constant 0.000000e+00 : f32
    %broadcast_in_dim3A = vector.broadcast %jit3A : f32 to vector<1024x1024xf32>
    %broadcast_in_dim3A_92 = vector.broadcast %jit3A_91 : f32 to vector<1024x1024xf32>
    %select_n3A = arith.select %and3A_90, %broadcast_in_dim3A, %broadcast_in_dim3A_92 : vector<1024x1024xi1>, vector<1024x1024xf32>
    %convert_element_type3A = arith.truncf %select_n3A : vector<1024x1024xf32> to vector<1024x1024xbf16>
    %swap3A = arith.constant 0 : index
    %swap3A_93 = arith.constant 0 : index
    %swap3A_94 = vector.load %arg6[%swap3A, %swap3A_93] : memref<1024x1024xbf16, #tpu.memory_space<vmem>>, vector<1024x1024xbf16>
    tpu.vector_store %arg6[%swap3A, %swap3A_93], %convert_element_type3A {strides = array<i32>} : memref<1024x1024xbf16, #tpu.memory_space<vmem>>, vector<1024x1024xbf16>,
    %iota3A_95 = tpu.iota {dimensions = array<i32: 1>} : vector<1x1024xi32>
    %lt3A_96 = arith.constant 1000 : i32
    %lt3A_97 = vector.broadcast %lt3A_96 : i32 to vector<1x1024xi32>
    %lt3A_98 = arith.cmpi slt, %iota3A_95, %lt3A_97 : vector<1x1024xi32>
    %jit3A_99 = arith.constant 1.000000e+00 : f32
    %jit3A_100 = arith.constant 0.000000e+00 : f32
    %broadcast_in_dim3A_101 = vector.broadcast %jit3A_99 : f32 to vector<1x1024xf32>
    %broadcast_in_dim3A_102 = vector.broadcast %jit3A_100 : f32 to vector<1x1024xf32>
    %select_n3A_103 = arith.select %lt3A_98, %broadcast_in_dim3A_101, %broadcast_in_dim3A_102 : vector<1x1024xi1>, vector<1x1024xf32>
    %while3A = arith.constant 1.000000e+00 : f32
    %while3A_104 = arith.constant 0 : i32
    %while3A_105:3 = scf.while (%while3A_130 = %select_n3A_103, %while3A_131 = %while3A, %while3A_132 = %while3A_104) : (vector<1x1024xf32>, f32, i32) -> (vector<1x1024xf32>, f32, i32) {
      %gt3A_133 = arith.constant 0.000000e+00 : f32
      %gt3A_134 = arith.cmpf ogt, %while3A_131, %gt3A_133 : f32
      %lt3A_135 = arith.constant 64 : i32
      %lt3A_136 = arith.cmpi slt, %while3A_132, %lt3A_135 : i32
      %and3A_137 = arith.andi %gt3A_134, %lt3A_136 : i1
      scf.condition(%and3A_137) %while3A_130, %while3A_131, %while3A_132 : vector<1x1024xf32>, f32, i32
    } do {
    ^bb0(%while3A_130: vector<1x1024xf32>, %while3A_131: f32, %while3A_132: i32):
      %convert_element_type3A_133 = arith.truncf %while3A_130 : vector<1x1024xf32> to vector<1x1024xbf16>
      %get3A_134 = arith.constant 0 : index
      %get3A_135 = arith.constant 0 : index
      %get3A_136 = vector.load %arg6[%get3A_134, %get3A_135] : memref<1024x1024xbf16, #tpu.memory_space<vmem>>, vector<1024x1024xbf16>
      %dot_general3A = arith.constant dense<0.000000e+00> : vector<1x1024xf32>
      %dot_general3A_137 = tpu.matmul %convert_element_type3A_133, %get3A_136, %dot_general3A {dimension_numbers = #tpu.dot_dimension_numbers<[1], [0], [0], [1], [0, 0, 1, 1], [], []>, transpose_lhs_hint = false} : vector<1x1024xbf16>, vector<1024x1024xbf16>, vector<1x1024xf32> -> vector<1x1024xf32>
      %lt3A_138 = arith.constant 5.000000e-01 : f32
      %lt3A_139 = vector.broadcast %lt3A_138 : f32 to vector<1x1024xf32>
      %lt3A_140 = arith.cmpf olt, %dot_general3A_137, %lt3A_139 : vector<1x1024xf32>
      %and3A_141 = arith.andi %lt3A_98, %lt3A_140 : vector<1x1024xi1>
      %jit3A_142 = arith.constant 1.000000e+00 : f32
      %jit3A_143 = arith.constant 0.000000e+00 : f32
      %broadcast_in_dim3A_144 = vector.broadcast %jit3A_142 : f32 to vector<1x1024xf32>
      %broadcast_in_dim3A_145 = vector.broadcast %jit3A_143 : f32 to vector<1x1024xf32>
      %select_n3A_146 = arith.select %and3A_141, %broadcast_in_dim3A_144, %broadcast_in_dim3A_145 : vector<1x1024xi1>, vector<1x1024xf32>
      %ne3A = arith.cmpf one, %select_n3A_146, %while3A_130 : vector<1x1024xf32>
      %jit3A_147 = arith.constant 1.000000e+00 : f32
      %jit3A_148 = arith.constant 0.000000e+00 : f32
      %broadcast_in_dim3A_149 = vector.broadcast %jit3A_147 : f32 to vector<1x1024xf32>
      %broadcast_in_dim3A_150 = vector.broadcast %jit3A_148 : f32 to vector<1x1024xf32>
      %select_n3A_151 = arith.select %ne3A, %broadcast_in_dim3A_149, %broadcast_in_dim3A_150 : vector<1x1024xi1>, vector<1x1024xf32>
      %reduce_sum3A = vector.shape_cast %select_n3A_151 : vector<1x1024xf32> to vector<1x1x1024xf32>
      %reduce_sum3A_152 = arith.constant dense<0.000000e+00> : vector<1xf32>
      %reduce_sum3A_153 = vector.multi_reduction <add>, %reduce_sum3A, %reduce_sum3A_152 [1, 2] : vector<1x1x1024xf32> to vector<1xf32>
      %reduce_sum3A_154 = vector.shape_cast %reduce_sum3A_153 : vector<1xf32> to vector<1x1x1xf32>
      %reduce_sum3A_155 = vector.extract %reduce_sum3A_154[0, 0, 0] : f32 from vector<1x1x1xf32>
      %add3A_156 = arith.constant 1 : i32
      %add3A_157 = arith.addi %while3A_132, %add3A_156 : i32
      scf.yield %select_n3A_146, %reduce_sum3A_155, %add3A_157 : vector<1x1024xf32>, f32, i32
    }
    %gt3A_106 = arith.constant 0.000000e+00 : f32
    %gt3A_107 = arith.cmpf ogt, %while3A_105#1, %gt3A_106 : f32
    %convert_element_type3A_108 = arith.extui %gt3A_107 : i1 to i32
    %cond3A = arith.constant 0 : i32
    %cond3A_109 = arith.cmpi ne, %convert_element_type3A_108, %cond3A : i32
    %cond3A_110 = scf.if %cond3A_109 -> (vector<1x1024xf32>) {
      %broadcast_in_dim3A_130 = arith.constant 0.000000e+00 : f32
      %broadcast_in_dim3A_131 = vector.broadcast %broadcast_in_dim3A_130 : f32 to vector<1x1024xf32>
      %scan3A = arith.constant 0 : i32
      %scan3A_132 = arith.constant 1000 : i32
      %scan3A_133 = arith.addi %scan3A, %scan3A_132 : i32
      %scan3A_134 = arith.constant 1 : i32
      %scan3A_135:2 = scf.for %scan3A_136 = %scan3A to %scan3A_133 step %scan3A_134 iter_args(%scan3A_137 = %broadcast_in_dim3A_131, %scan3A_138 = %select_n3A_103) -> (vector<1x1024xf32>, vector<1x1024xf32>)  : i32 {
        %gt3A_139 = arith.constant 5.000000e-01 : f32
        %gt3A_140 = vector.broadcast %gt3A_139 : f32 to vector<1x1024xf32>
        %gt3A_141 = arith.cmpf ogt, %scan3A_138, %gt3A_140 : vector<1x1024xf32>
        %jit3A_142 = arith.constant -3.000000e+00 : f32
        %broadcast_in_dim3A_143 = vector.broadcast %jit3A_142 : f32 to vector<1x1024xf32>
        %select_n3A_144 = arith.select %gt3A_141, %get3A_48, %broadcast_in_dim3A_143 : vector<1x1024xi1>, vector<1x1024xf32>
        %reduce_max3A = vector.shape_cast %select_n3A_144 : vector<1x1024xf32> to vector<1x1x1024xf32>
        %reduce_max3A_145 = arith.constant dense<0xFF800000> : vector<1xf32>
        %reduce_max3A_146 = vector.multi_reduction <maximumf>, %reduce_max3A, %reduce_max3A_145 [1, 2] : vector<1x1x1024xf32> to vector<1xf32>
        %reduce_max3A_147 = vector.shape_cast %reduce_max3A_146 : vector<1xf32> to vector<1x1x1xf32>
        %reduce_max3A_148 = vector.extract %reduce_max3A_147[0, 0, 0] : f32 from vector<1x1x1xf32>
        %eq3A_149 = vector.broadcast %reduce_max3A_148 : f32 to vector<1x1024xf32>
        %eq3A_150 = arith.cmpf oeq, %select_n3A_144, %eq3A_149 : vector<1x1024xf32>
        %jit3A_151 = arith.constant 1024 : i32
        %broadcast_in_dim3A_152 = vector.broadcast %jit3A_151 : i32 to vector<1x1024xi32>
        %select_n3A_153 = arith.select %eq3A_150, %iota3A_95, %broadcast_in_dim3A_152 : vector<1x1024xi1>, vector<1x1024xi32>
        %reduce_min3A = vector.shape_cast %select_n3A_153 : vector<1x1024xi32> to vector<1x1x1024xi32>
        %reduce_min3A_154 = arith.constant dense<2147483647> : vector<1xi32>
        %reduce_min3A_155 = vector.multi_reduction <minsi>, %reduce_min3A, %reduce_min3A_154 [1, 2] : vector<1x1x1024xi32> to vector<1xi32>
        %reduce_min3A_156 = vector.shape_cast %reduce_min3A_155 : vector<1xi32> to vector<1x1x1xi32>
        %reduce_min3A_157 = vector.extract %reduce_min3A_156[0, 0, 0] : i32 from vector<1x1x1xi32>
        %get3A_158 = arith.constant 0 : index
        %get3A_159 = arith.index_cast %reduce_min3A_157 : i32 to index
        %get3A_160 = arith.constant 0 : index
        %get3A_161 = vector.load %arg1[%get3A_158, %get3A_159, %get3A_160] : memref<1x1024x4xf32, #tpu.memory_space<vmem>>, vector<1x1x1xf32>
        %get3A_162 = vector.shape_cast %get3A_161 : vector<1x1x1xf32> to vector<1x1xf32>
        %get3A_163 = arith.constant 0 : index
        %get3A_164 = arith.index_cast %reduce_min3A_157 : i32 to index
        %get3A_165 = arith.constant 1 : index
        %get3A_166 = vector.load %arg1[%get3A_163, %get3A_164, %get3A_165] : memref<1x1024x4xf32, #tpu.memory_space<vmem>>, vector<1x1x1xf32>
        %get3A_167 = vector.shape_cast %get3A_166 : vector<1x1x1xf32> to vector<1x1xf32>
        %get3A_168 = arith.constant 0 : index
        %get3A_169 = arith.index_cast %reduce_min3A_157 : i32 to index
        %get3A_170 = arith.constant 2 : index
        %get3A_171 = vector.load %arg1[%get3A_168, %get3A_169, %get3A_170] : memref<1x1024x4xf32, #tpu.memory_space<vmem>>, vector<1x1x1xf32>
        %get3A_172 = vector.shape_cast %get3A_171 : vector<1x1x1xf32> to vector<1x1xf32>
        %get3A_173 = arith.constant 0 : index
        %get3A_174 = arith.index_cast %reduce_min3A_157 : i32 to index
        %get3A_175 = arith.constant 0 : index
        %get3A_176 = vector.load %arg2[%get3A_173, %get3A_174, %get3A_175] : memref<1x1024x4xf32, #tpu.memory_space<vmem>>, vector<1x1x1xf32>
        %get3A_177 = vector.shape_cast %get3A_176 : vector<1x1x1xf32> to vector<1x1xf32>
        %get3A_178 = arith.constant 0 : index
        %get3A_179 = arith.index_cast %reduce_min3A_157 : i32 to index
        %get3A_180 = arith.constant 1 : index
        %get3A_181 = vector.load %arg2[%get3A_178, %get3A_179, %get3A_180] : memref<1x1024x4xf32, #tpu.memory_space<vmem>>, vector<1x1x1xf32>
        %get3A_182 = vector.shape_cast %get3A_181 : vector<1x1x1xf32> to vector<1x1xf32>
        %min3A_183 = vector.broadcast %get3A_167 : vector<1x1xf32> to vector<1x1024xf32>
        %min3A_184 = arith.minimumf %min3A_183, %get3A_38 : vector<1x1024xf32>
        %max3A_185 = vector.broadcast %get3A_162 : vector<1x1xf32> to vector<1x1024xf32>
        %max3A_186 = arith.maximumf %max3A_185, %get3A_33 : vector<1x1024xf32>
        %sub3A_187 = arith.subf %min3A_184, %max3A_186 : vector<1x1024xf32>
        %max3A_188 = arith.constant 0.000000e+00 : f32
        %max3A_189 = vector.broadcast %max3A_188 : f32 to vector<1x1024xf32>
        %max3A_190 = arith.maximumf %sub3A_187, %max3A_189 : vector<1x1024xf32>
        %min3A_191 = vector.broadcast %get3A_182 : vector<1x1xf32> to vector<1x1024xf32>
        %min3A_192 = arith.minimumf %min3A_191, %get3A_58 : vector<1x1024xf32>
        %max3A_193 = vector.broadcast %get3A_177 : vector<1x1xf32> to vector<1x1024xf32>
        %max3A_194 = arith.maximumf %max3A_193, %get3A_53 : vector<1x1024xf32>
        %sub3A_195 = arith.subf %min3A_192, %max3A_194 : vector<1x1024xf32>
        %max3A_196 = arith.constant 0.000000e+00 : f32
        %max3A_197 = vector.broadcast %max3A_196 : f32 to vector<1x1024xf32>
        %max3A_198 = arith.maximumf %sub3A_195, %max3A_197 : vector<1x1024xf32>
        %mul3A_199 = arith.mulf %max3A_190, %max3A_198 : vector<1x1024xf32>
        %add3A_200 = vector.broadcast %get3A_172 : vector<1x1xf32> to vector<1x1024xf32>
        %add3A_201 = arith.addf %add3A_200, %get3A_43 : vector<1x1024xf32>
        %sub3A_202 = arith.subf %add3A_201, %mul3A_199 : vector<1x1024xf32>
        %add3A_203 = arith.constant 9.99999971E-10 : f32
        %add3A_204 = vector.broadcast %add3A_203 : f32 to vector<1x1024xf32>
        %add3A_205 = arith.addf %sub3A_202, %add3A_204 : vector<1x1024xf32>
        %div3A_206 = arith.divf %mul3A_199, %add3A_205 : vector<1x1024xf32>
        %gt3A_207 = arith.constant 5.000000e-01 : f32
        %gt3A_208 = vector.broadcast %gt3A_207 : f32 to vector<1x1024xf32>
        %gt3A_209 = arith.cmpf ogt, %div3A_206, %gt3A_208 : vector<1x1024xf32>
        %jit3A_210 = arith.constant 1.000000e+00 : f32
        %jit3A_211 = arith.constant 0.000000e+00 : f32
        %broadcast_in_dim3A_212 = vector.broadcast %jit3A_210 : f32 to vector<1x1024xf32>
        %broadcast_in_dim3A_213 = vector.broadcast %jit3A_211 : f32 to vector<1x1024xf32>
        %select_n3A_214 = arith.select %gt3A_209, %broadcast_in_dim3A_212, %broadcast_in_dim3A_213 : vector<1x1024xi1>, vector<1x1024xf32>
        %mul3A_215 = arith.mulf %select_n3A_214, %scan3A_137 : vector<1x1024xf32>
        %reduce_max3A_216 = vector.shape_cast %mul3A_215 : vector<1x1024xf32> to vector<1x1x1024xf32>
        %reduce_max3A_217 = arith.constant dense<0xFF800000> : vector<1xf32>
        %reduce_max3A_218 = vector.multi_reduction <maximumf>, %reduce_max3A_216, %reduce_max3A_217 [1, 2] : vector<1x1x1024xf32> to vector<1xf32>
        %reduce_max3A_219 = vector.shape_cast %reduce_max3A_218 : vector<1xf32> to vector<1x1x1xf32>
        %reduce_max3A_220 = vector.extract %reduce_max3A_219[0, 0, 0] : f32 from vector<1x1x1xf32>
        %eq3A_221 = vector.broadcast %reduce_min3A_157 : i32 to vector<1x1024xi32>
        %eq3A_222 = arith.cmpi eq, %iota3A_95, %eq3A_221 : vector<1x1024xi32>
        %gt3A_223 = arith.constant 5.000000e-01 : f32
        %gt3A_224 = arith.cmpf ogt, %reduce_max3A_220, %gt3A_223 : f32
        %jit3A_225 = arith.constant 0.000000e+00 : f32
        %jit3A_226 = arith.constant 1.000000e+00 : f32
        %select_n3A_227 = arith.select %gt3A_224, %jit3A_225, %jit3A_226 : f32
        %broadcast_in_dim3A_228 = vector.broadcast %select_n3A_227 : f32 to vector<1x1024xf32>
        %select_n3A_229 = arith.select %eq3A_222, %broadcast_in_dim3A_228, %scan3A_137 : vector<1x1024xi1>, vector<1x1024xf32>
        %eq3A_230 = vector.broadcast %reduce_min3A_157 : i32 to vector<1x1024xi32>
        %eq3A_231 = arith.cmpi eq, %iota3A_95, %eq3A_230 : vector<1x1024xi32>
        %jit3A_232 = arith.constant 0.000000e+00 : f32
        %broadcast_in_dim3A_233 = vector.broadcast %jit3A_232 : f32 to vector<1x1024xf32>
        %select_n3A_234 = arith.select %eq3A_231, %broadcast_in_dim3A_233, %scan3A_138 : vector<1x1024xi1>, vector<1x1024xf32>
        scf.yield %select_n3A_229, %select_n3A_234 : vector<1x1024xf32>, vector<1x1024xf32>
      }
      scf.yield %scan3A_135#0 : vector<1x1024xf32>
    } else {
      scf.yield %while3A_105#0 : vector<1x1024xf32>
    }
    %gt3A_111 = arith.constant 5.000000e-01 : f32
    %gt3A_112 = vector.broadcast %gt3A_111 : f32 to vector<1x1024xf32>
    %gt3A_113 = arith.cmpf ogt, %cond3A_110, %gt3A_112 : vector<1x1024xf32>
    %gt3A_114 = arith.constant 5.000000e-02 : f32
    %gt3A_115 = vector.broadcast %gt3A_114 : f32 to vector<1x1024xf32>
    %gt3A_116 = arith.cmpf ogt, %get3A_48, %gt3A_115 : vector<1x1024xf32>
    %and3A_117 = arith.andi %gt3A_113, %gt3A_116 : vector<1x1024xi1>
    %jit3A_118 = arith.constant -1.000000e+00 : f32
    %jit3A_119 = arith.constant -3.000000e+00 : f32
    %broadcast_in_dim3A_120 = vector.broadcast %jit3A_118 : f32 to vector<1x1024xf32>
    %broadcast_in_dim3A_121 = vector.broadcast %jit3A_119 : f32 to vector<1x1024xf32>
    %select_n3A_122 = arith.select %lt3A_98, %broadcast_in_dim3A_120, %broadcast_in_dim3A_121 : vector<1x1024xi1>, vector<1x1024xf32>
    %select_n3A_123 = arith.select %and3A_117, %get3A_48, %select_n3A_122 : vector<1x1024xi1>, vector<1x1024xf32>
    %swap3A_124 = arith.constant 0 : index
    %swap3A_125 = arith.constant 0 : index
    %swap3A_126 = arith.constant 0 : index
    %swap3A_127 = vector.load %arg5[%swap3A_124, %swap3A_125, %swap3A_126] : memref<1x1x1024xf32, #tpu.memory_space<vmem>>, vector<1x1x1024xf32>
    %swap3A_128 = vector.shape_cast %swap3A_127 : vector<1x1x1024xf32> to vector<1x1024xf32>
    %swap3A_129 = vector.shape_cast %select_n3A_123 : vector<1x1024xf32> to vector<1x1x1024xf32>
    tpu.vector_store %arg5[%swap3A_124, %swap3A_125, %swap3A_126], %swap3A_129 {strides = array<i32>} : memref<1x1x1024xf32, #tpu.memory_space<vmem>>, vector<1x1x1024xf32>,
    return
  }
  func.func @transform_0(%arg0: i32) -> (i32, i32, i32) {
    %add3A = arith.constant 1 : i32
    %add3A_0 = arith.addi %arg0, %add3A : i32
    %c0_i32 = arith.constant 0 : i32
    %c0_i32_1 = arith.constant 0 : i32
    %c0_i32_2 = arith.constant 0 : i32
    return %add3A_0, %c0_i32, %c0_i32_1 : i32, i32, i32
  }
  func.func @transform_1(%arg0: i32) -> (i32, i32, i32) {
    %add3A = arith.constant 1 : i32
    %add3A_0 = arith.addi %arg0, %add3A : i32
    %c0_i32 = arith.constant 0 : i32
    %c0_i32_1 = arith.constant 0 : i32
    %c0_i32_2 = arith.constant 0 : i32
    return %add3A_0, %c0_i32, %c0_i32_1 : i32, i32, i32
  }
  func.func @transform_2(%arg0: i32) -> (i32, i32, i32) {
    %add3A = arith.constant 1 : i32
    %add3A_0 = arith.addi %arg0, %add3A : i32
    %c0_i32 = arith.constant 0 : i32
    %c0_i32_1 = arith.constant 0 : i32
    %c0_i32_2 = arith.constant 0 : i32
    return %add3A_0, %c0_i32, %c0_i32_1 : i32, i32, i32
  }
  func.func @transform_3(%arg0: i32) -> (i32, i32, i32) {
    %add3A = arith.constant 1 : i32
    %add3A_0 = arith.addi %arg0, %add3A : i32
    %c0_i32 = arith.constant 0 : i32
    %c0_i32_1 = arith.constant 0 : i32
    %c0_i32_2 = arith.constant 0 : i32
    return %add3A_0, %c0_i32, %c0_i32_1 : i32, i32, i32
  }
  func.func @transform_4(%arg0: i32) -> (i32, i32, i32) {
    %c0_i32 = arith.constant 0 : i32
    %c0_i32_0 = arith.constant 0 : i32
    %c0_i32_1 = arith.constant 0 : i32
    return %arg0, %c0_i32, %c0_i32_0 : i32, i32, i32
  }
}

</mosaic_0001>

<sc_bundles>
// kernel: kernel.5.cloned.1.call-start
scs
__scs_entry_jumppad:
0x0: {  	(pc) =	sbr.rel $0x88, $3  }
0x1: {  	(tag) =	ssettag $0x0;
	lr =	simm.s32 $0x1  }
0x2: {  	[smem:$0x3F9E] =	sst lr;
	_ =	strace $0xD0000000  }
0x3: {  	_ = 	snop  }
0x4: {  	_ = 	snop  }
0x5: {  	_ = 	snop  }
0x6: {  	_ = 	snop  }
0x7: {  	_ = 	snop  }
__scs_overlays_trampoline_lowered:
0x8: {  	[smem:$0x3FAD] =	sst s0  }
0x9: {  	[smem:$0x3FAE] =	sst s1  }
0xa: {  	[smem:$0x3FAF] =	sst s2  }
0xb: {  	[smem:$0x3FB0] =	sst s3  }
0xc: {  	[smem:$0x3FB1] =	sst s4  }
0xd: {  	[smem:$0x3FB2] =	sst s5  }
0xe: {  	[smem:$0x3FB3] =	sst s6  }
0xf: {  	[smem:$0x3FB4] =	sst s7  }
0x10: {  	[smem:$0x3FB5] =	sst s8  }
0x11: {  	[smem:$0x3FB6] =	sst s9;
	s0 =	simm.s32 @!p0 $0x0  }
0x12: {  	s1 =	sld [smem:$0x3F9C];
	s0 =	simm.s32 @p0 $0x1  }
0x13: {  	[smem:$0x3FB7] =	sst s0;
	s0 =	simm.s32 @!p1 $0x0  }
0x14: {  	s2 =	sld [smem:$0x3F9B];
	s0 =	simm.s32 @p1 $0x1  }
0x15: {  	[smem:$0x3FB8] =	sst s0;
	s0 =	simm.s32 @!p2 $0x0  }
0x16: {  	s3 =	sld [smem:$0x3FDB];
	s0 =	simm.s32 @p2 $0x1  }
0x17: {  	s4 =	simm.s32 $0x1BF5;
	[smem:$0x3FBA] =	sst s0  }
0x18: {  	s0 =	sld [smem:$0x3F9D];
	_ =	swait.ge [sflag:s4], $0x0  }
0x19: {  	s7 =	sld [smem:$0x3F9E]  }
0x1a: {  	s8 =	sadd.s32 $0xFFFFE003, lr  }
0x1b: {  	s9 =	sadd.s32 $0xFFFFFEF7, lr;
	s5 =	simm.s32 $0xFFFFFFFF;
	p2 =	slt.u32 s8, $0xFFFFF086  }
0x1c: {  	p1 =	slt.u32 s9, $0xF7A;
	s5 =	simm.s32 @!p2 $0x0  }
0x1d: {  	s5 =	simm.s32 @p1 $0x1;
	p0 =	seq.s32 s7, s2  }
0x1e: {  	s7 =	smul.u32 @!p0 $0xF7A, s2;
	p2 =	seq.s32 @!p0 s5, $0x0  }
0x1f: {  	s9 =	smul.u32 $0xF7A, s1;
	s8 =	simm.s32 @!p0 $0x1BF5;
	p2 =	por !p2, p0  }
0x20: {  	[sflag:s8] =	ssyncset.s32 @!p0 $0xFFFFF086;
	s6 =	sadd.s32 @!p0 s3, s7;
	s7 =	simm.s32 @!p0 $0x108  }
0x21: {  	s3 =	sadd.s32 s3, s9;
	s6 =	sadd.s32 @!p0 $0x88, s6;
	s7 =	simm.s32 @p2 $0x1082  }
0x22: {  	[simem:s7], [sflag:s8] =	dma.local @!p0 [hbm:s6], $0xF7A  }
0x23: {  	s9 =	sor.u32 $0xD0000000, s2;
	s6 =	simm.s32 $0x108;
	_ =	swait.ge @!p0 [sflag:s8], $0x0  }
0x24: {  	s3 =	sadd.s32 $0x88, s3;
	s6 =	simm.s32 @!p1 $0x1082;
	[sflag:s4] =	ssyncset.s32 $0xFFFFF086  }
0x25: {  	[simem:s6], [sflag:s4] =	dma.local [hbm:s3], $0xF7A  }
0x26: {  	[smem:$0x3F9E] =	sst s1;
	(tag) =	ssettag s2;
	_ =	strace s9  }
0x27: {  	s1 =	sld [smem:$0x3FAE]  }
0x28: {  	s2 =	sld [smem:$0x3FAF]  }
0x29: {  	s4 =	sld [smem:$0x3FB1]  }
0x2a: {  	p0 =	seq.s32 s5, $0x0;
	s5 =	sld [smem:$0x3FB2]  }
0x2b: {  	s6 =	sld [smem:$0x3FB3]  }
0x2c: {  	s7 =	sld [smem:$0x3FB4]  }
0x2d: {  	s3 =	simm.s32 $0x108;
	s8 =	sld [smem:$0x3FB5]  }
0x2e: {  	s3 =	simm.s32 @!p0 $0x1082;
	s9 =	sld [smem:$0x3FB6]  }
0x2f: {  	lr =	sadd.s32 s0, s3;
	s0 =	sld [smem:$0x3FAD]  }
0x30: {  	s3 =	sld [smem:$0x3FB0]  }
0x31: {  	[smem:$0x3FB9] =	sst s10  }
0x32: {  	s10 =	sld [smem:$0x3FB7];
	_ =	sdelay $0x3  }
0x33: {  	p0 =	seq.s32 s10, $0x1;
	s10 =	sld [smem:$0x3FB9];
	_ =	sdelay $0x3  }
0x34: {  	[smem:$0x3FB9] =	sst s10  }
0x35: {  	s10 =	sld [smem:$0x3FB8];
	_ =	sdelay $0x3  }
0x36: {  	p1 =	seq.s32 s10, $0x1;
	s10 =	sld [smem:$0x3FB9];
	_ =	sdelay $0x3  }
0x37: {  	[smem:$0x3FB9] =	sst s10  }
0x38: {  	s10 =	sld [smem:$0x3FBA]  }
0x39: {  	_ = 	snop;
	(pc) =	sbr.ind lr, $3  }
0x3a: {  	_ = 	snop  }
0x3b: {  	_ = 	snop  }
0x3c: {  	p2 =	seq.s32 s10, $0x1;
	s10 =	sld [smem:$0x3FB9]  }
0x3d: {  	_ =	shalt  }
0x3e: {  	_ =	shalt  }
0x3f: {  	_ =	shalt  }
0x40: {  	_ =	shalt  }
0x41: {  	_ =	shalt  }
0x42: {  	_ =	shalt  }
0x43: {  	_ =	shalt  }
0x44: {  	_ =	shalt  }
0x45: {  	_ =	shalt  }
0x46: {  	_ =	shalt  }
0x47: {  	_ =	shalt  }
0x48: {  	_ =	shalt  }
0x49: {  	_ =	shalt  }
0x4a: {  	_ =	shalt  }
0x4b: {  	_ =	shalt  }
0x4c: {  	_ =	shalt  }
0x4d: {  	_ =	shalt  }
0x4e: {  	_ =	shalt  }
0x4f: {  	_ =	shalt  }
0x50: {  	_ =	shalt  }
0x51: {  	_ =	shalt  }
0x52: {  	_ =	shalt  }
0x53: {  	_ =	shalt  }
0x54: {  	_ =	shalt  }
0x55: {  	_ =	shalt  }
0x56: {  	_ =	shalt  }
0x57: {  	_ =	shalt  }
0x58: {  	_ =	shalt  }
0x59: {  	_ =	shalt  }
0x5a: {  	_ =	shalt  }
0x5b: {  	_ =	shalt  }
0x5c: {  	_ =	shalt  }
0x5d: {  	_ =	shalt  }
0x5e: {  	_ =	shalt  }
0x5f: {  	_ =	shalt  }
0x60: {  	_ =	shalt  }
0x61: {  	_ =	shalt  }
0x62: {  	_ =	shalt  }
0x63: {  	_ =	shalt  }
0x64: {  	_ =	shalt  }
0x65: {  	_ =	shalt  }
0x66: {  	_ =	shalt  }
0x67: {  	_ =	shalt  }
0x68: {  	_ =	shalt  }
0x69: {  	_ =	shalt  }
0x6a: {  	_ =	shalt  }
0x6b: {  	_ =	shalt  }
0x6c: {  	_ =	shalt  }
0x6d: {  	_ =	shalt  }
0x6e: {  	_ =	shalt  }
0x6f: {  	_ =	shalt  }
0x70: {  	_ =	shalt  }
0x71: {  	_ =	shalt  }
0x72: {  	_ =	shalt  }
0x73: {  	_ =	shalt  }
0x74: {  	_ =	shalt  }
0x75: {  	_ =	shalt  }
0x76: {  	_ =	shalt  }
0x77: {  	_ =	shalt  }
0x78: {  	_ =	shalt  }
0x79: {  	_ =	shalt  }
0x7a: {  	_ =	shalt  }
0x7b: {  	_ =	shalt  }
0x7c: {  	_ =	shalt  }
0x7d: {  	_ =	shalt  }
0x7e: {  	_ =	shalt  }
0x7f: {  	_ =	shalt  }
0x80: {  	_ =	shalt  }
0x81: {  	_ =	shalt  }
0x82: {  	_ =	shalt  }
0x83: {  	_ =	shalt  }
0x84: {  	_ =	shalt  }
0x85: {  	_ =	shalt  }
0x86: {  	_ =	shalt  }
0x87: {  	_ =	shalt  }
.Lfunc_end0:
.L_simem_size_0:
called_computation_lowered:
.L_overlay_start_0:
0x88: {  	s2 =	sld [smem:$0x3FD9]  }
0x89: {  	s3 =	sld [smem:$0x3FFE];
	_ =	sdelay $0x1  }
0x8a: {  	s1 =	srdreg.scid  }
0x8b: {  	s0 =	sand.u32 $0x1, s1  }
0x8c: {  	s16 =	sshll.u32 s0, $0xA;
	s2 =	sadd.s32 s3, s2  }
0x8d: {  	s2 =	sadd.s32 s2, s16  }
0x8e: {  	[smem:$0x3FC5] =	sst s2  }
0x8f: {  	_ = 	snop  }
0x90: {  	(tm) =	ssettm $0x1  }
0x91: {  	s17 =	sld [smem:$0x3FFB];
	_ =	sdelay $0x3  }
0x92: {  	_ =	strace s17  }
0x93: {  	s2 =	sld [smem:$0x3FFC];
	_ =	sdelay $0x3  }
0x94: {  	_ =	strace s2  }
0x95: {  	s2 =	sld [smem:$0x3FFD];
	_ =	sdelay $0x3  }
0x96: {  	_ =	strace s2  }
0x97: {  	_ =	strace $0x8FFFFFFF  }
0x98: {  	s18 =	sld [smem:$0x3FDB];
	_ =	sdelay $0x1  }
0x99: {  	s19 =	simm.s32 $_scs_section_size  }
0x9a: {  	s4 =	simm.s32 $_size__tile_overlayer_lowered;
	s5 =	simm.s32 $_tile_overlayer_lowered  }
0x9b: {  	s22 =	simm.s32 $0x1BFF;
	s21 =	sshll.u32 s5, $0x1;
	s2 =	sadd.s32 s19, s18  }
0x9c: {  	s6 =	simm.s32 $0x0;
	s20 =	sshll.u32 s4, $0x1;
	s4 =	sadd.s32 s21, s2  }
0x9d: {  	[timem:s6], [sflag:s22] =	dma.local [hbm:s4], s20  }
0x9e: {  	_ =	swait.ge [sflag:s22], s20  }
0x9f: {  	s3 =	ssub.s32 $0x0, s20;
	[sflag:s22] =	ssyncset.done $0x0  }
0xa0: {  	[sflag:s22] =	ssyncadd.s32 s3;
	_ =	sdelay $0x1  }
0xa1: {  	s23 =	simm.s32 $0x1B8B  }
0xa2: {  	_ =	swait.ge [sflag:s23], $0x1  }
0xa3: {  	[sflag:s23] =	ssyncset.done $0x0  }
0xa4: {  	s25 =	simm.s32 $0x1B8E;
	s24 =	sld [smem:$0x3FFE];
	[sflag:s23] =	ssyncadd.s32 $0xFFFFFFFF  }
0xa5: {  	s26 =	simm.s32 $execute0_lowered;
	[smem:$0x3FD2] =	sst s25  }
0xa6: {  	s4 =	sshll.u32 s26, $0x1;
	_ =	strace $0x80000046;
	[dreg:$0x1] =	wrdreg $0xFFFFFFFF  }
0xa7: {  	s28 =	simm.s32 $_size_execute0_lowered;
	s2 =	sadd.s32 s2, s4;
	[dreg:$0x0] =	wrdreg $0x0  }
0xa8: {  	s4 =	sshll.u32 s28, $0x1;
	[dreg:$0x2] =	wrdreg s2  }
0xa9: {  	[dreg:$0x3] =	wrdreg s4  }
0xaa: {  	[dreg:$0x4] =	wrdreg $0xC0  }
0xab: {  	_ =	task [dreg:s6], $0x5FFFF  }
0xac: {  	[dreg:$0x1] =	wrdreg $0xFFFFFFFF  }
0xad: {  	[dreg:$0x0] =	wrdreg $0x60  }
0xae: {  	[dreg:$0x2] =	wrdreg s24  }
0xaf: {  	[dreg:$0x3] =	wrdreg $0x9  }
0xb0: {  	_ =	task.clear_ibuf [dreg:s6], $0x4FFFF;
	_ =	strace $0x90000046  }
0xb1: {  	s29 =	simm.s32 $0x9;
	_ =	strace $0x80000048  }
0xb2: {  	_ =	swait.ge [sflag:s29], $0x1  }
0xb3: {  	[sflag:s29] =	ssyncadd.s32 $0xFFFFFFFF  }
0xb4: {  	_ =	strace $0x90000048  }
0xb5: {  	_ =	sfence  }
0xb6: {  	s30 =	sld [smem:$0x0];
	_ =	sdelay $0x2  }
0xb7: {  	s31 =	sshll.u32 s1, $0xD;
	s1 =	sshrl.u32 s1, $0x2  }
0xb8: {  	s3 =	sand.u32 $0x4000, s31;
	s1 =	sadd.s32 s1, s30  }
0xb9: {  	s0 =	sor.u32 s3, s0;
	s1 =	sshll.u32 s1, $0x11  }
0xba: {  	s0 =	sor.u32 s1, s0  }
0xbb: {  	s0 =	sadd.s32 $0x8F2B, s0  }
0xbc: {  	[sflag:s0] =	ssyncadd.remote.s32 $0x1  }
0xbd: {  	_ =	sfence.sel $0xFFFF  }
0xbe: {  	[dreg:$0x0] =	wrdreg $0xFFFFFFFF;
	(pc) =	sbr.abs _section_cstart, $3  }
0xbf: {  	[dreg:$0x1] =	wrdreg $0xFFFFFFFF  }
0xc0: {  	_ =	task.clear_ibuf [dreg:s6], $0x2FFFF;
	_ =	strace $0x9FFFFFFF  }
0xc1: {  	(tm) =	ssettm $0x7FFFFFFF  }
tec
execute0_lowered:
.L_overlay_start_1:
0x0: {  	(tag) =	ssettag $0x1  }
0x1: {  	s0 =	srdreg.scid  }
0x2: {  	s0 =	sand.u32 $0x1, s0  }
0x3: {  	s1 =	stileid.u32;
	p0 =	seq.s32 s0, $0x1  }
0x4: {  	p1 =	seq.s32 @!p0 s1, $0x0  }
0x5: {  	p0 =	por p0, p1  }
.Ltmp0:
0x6: {  	_ = 	snop;
	(pc) =	sbr.rel @p0 .LBB2_8-.Ltmp0, $4  }
0x7: {  	_ = 	snop  }
0x8: {  	s2 =	rddreg [dreg:$0x0];
	s4 =	simm.s32 $0x0  }
0x9: {  	[smem:$0x7FF] =	sst s4  }
0xa: {  	s0 =	rddreg [dreg:$0x1];
	_ =	strace $0x80000047  }
0xb: {  	s3 =	sshrl.u32 s1, $0x3  }
0xc: {  	s5 =	sshll.u32 s1, $0x7;
	s6 =	smul.u32 $0xA000, s3  }
0xd: {  	s5 =	sand.u32 $0x380, s5  }
0xe: {  	s6 =	sor.u32 s5, s6  }
0xf: {  	s7 =	sadd.s32 $0x14000, s2;
	s20 =	simm.s32 $0x80;
	s6 =	sshrl.u32 s6, $0x3  }
0x10: {  	s8 =	simm.s32 $0x400;
	s21 =	simm.s32 $0x1;
	s6 =	sadd.s32 s7, s6  }
0x11: {  	[tilespmem:s4], [sflag:$0x1] =	stream.strided.gather [hbm4b:s6+s20], $0x1400, s8, s20, $0x38;
	[tilespmem:$0xDD00] =	vst v63  }
0x12: {  	s22 =	smul.u32 $0x1400, s1;
	_ =	swait.ge [sflag:s21], $0x1400  }
0x13: {  	s9 =	simm.s32 $0x1400;
	[sflag:s21] =	ssyncset.done $0x0  }
0x14: {  	s23 =	sshll.u32 s3, $0xA;
	s7 =	sadd.s32 s2, s22;
	[sflag:s21] =	ssyncadd.s32 $0xFFFFEC00  }
0x15: {  	[tilespmem:s9], [sflag:$0x1] =	stream.linear.gather [hbm4b:s7+s4], $0xA000, $0x38;
	[tilespmem:$0xDD00] =	vst v63  }
0x16: {  	s24 =	sor.u32 s5, s23;
	_ =	swait.ge [sflag:s21], $0xA000  }
0x17: {  	s25 =	sadd.s32 $0x16800, s2;
	s7 =	sshrl.u32 s24, $0x3;
	[sflag:s21] =	ssyncset.done $0x0  }
0x18: {  	s26 =	simm.s32 $0xDC00;
	s8 =	sadd.s32 s25, s7;
	[sflag:s21] =	ssyncadd.s32 $0xFFFF6000  }
0x19: {  	[tilespmem:s26], [sflag:$0x1] =	stream.linear.gather [hbm4b:s8+s4], $0x80, $0x38;
	[tilespmem:$0xDD00] =	vst v63  }
0x1a: {  	_ =	swait.ge [sflag:s21], $0x80  }
0x1b: {  	s28 =	sadd.s32 $0x16A00, s2;
	[sflag:s21] =	ssyncset.done $0x0  }
0x1c: {  	s29 =	simm.s32 $0xDC80;
	s7 =	sadd.s32 s28, s7;
	[sflag:s21] =	ssyncadd.s32 $0xFFFFFF80  }
0x1d: {  	[tilespmem:s29], [sflag:$0x1] =	stream.linear.gather [hbm4b:s7+s4], $0x80, $0x38;
	[tilespmem:$0xDD00] =	vst v63  }
0x1e: {  	s3 =	sshll.u32 s3, $0xD;
	_ =	swait.ge [sflag:s21], $0x80  }
0x1f: {  	s3 =	sor.u32 s5, s3;
	[sflag:s21] =	ssyncset.done $0x0  }
0x20: {  	s30 =	sshll.u32 s1, $0xA;
	s3 =	sshrl.u32 s3, $0x3;
	[sflag:s21] =	ssyncadd.s32 $0xFFFFFF80  }
0x21: {  	s31 =	sadd.s32 s30, s2;
	s3 =	sadd.s32 s3, s2;
	v0 =	vld [tilespmem:$0xDC00]  }
0x22: {  	v3 =	vimm.f32 $-2.000000000e+00;
	v2 =	vimm.s32 $0x0;
	s3 =	sadd.s32 $0x1AC00, s3;
	s2 =	sadd.s32 $0x16C00, s31;
	v1 =	vld [tilespmem:$0xDC80]  }
.LBB2_2:
0x23: {  	p0 =	sne.s32 s4, $0xFC0  }
.Ltmp1:
0x24: {  	_ = 	snop;
	(pc) =	sbr.rel @p0 .LBB2_2-.Ltmp1, $4  }
0x25: {  	_ = 	snop  }
0x26: {  	s5 =	sshra.s32 s4, $0x2  }
0x27: {  	[tilespmem:s5+$0xB400] =	vst v2  }
0x28: {  	s4 =	sadd.s32 $0x40, s4;
	[tilespmem:s5+$0xB800] =	vst v3  }
0x29: {  	s5 =	simm.s32 $0x0  }
0x2a: {  	v3 =	vimm.s32 $0x0;
	v4 =	vlaneseq.u32;
	s6 =	simm.s32 $0xB800;
	s7 =	simm.s32 $0x0;
	v5 =	vimm.s32 $0x0;
	s4 =	simm.s32 $0xB400  }
.LBB2_4:
0x2b: {  	v6 =	vld [tilespmem:s5+$0x0];
	_ =	sdelay $0x4  }
0x2c: {  	vm0 =	veq.f32 v6, v0  }
0x2d: {  	v7 =	vsel vm0, $0x1, v3  }
0x2e: {  	(xrf0) =	vadd.scan.msk.s32 $0xffff, v7;
	_ =	sdelay $0x5  }
0x2f: {  	v7, _, _ =	vpop (xrf0)  }
0x30: {  	v7 =	vadd.s32 v2, v7  }
0x31: {  	vm1 =	vle.s32 v7, v1  }
0x32: {  	vm2 =	vgt.f32 v6, v0;
	vm1 =	vmand vm0, vm1  }
0x33: {  	vm1 =	vmor vm2, vm1  }
0x34: {  	v7 =	vsel vm1, $0x1, v3  }
0x35: {  	(xrf0) =	vadd.scan.msk.s32 $0xffff, v7;
	_ =	sdelay $0x5  }
0x36: {  	v7, _, _ =	vpop (xrf0)  }
0x37: {  	v7 =	vadd.s32 v7, v5  }
0x38: {  	v7 =	vadd.s32 $0xFFFFFFFF, v7  }
0x39: {  	v7 =	vnsel vm1, $0x0, v7  }
0x3a: {  	p0 =	sne.s32 s7, $0x13F0  }
.Ltmp2:
0x3b: {  	_ = 	snop;
	(pc) =	sbr.rel @p0 .LBB2_4-.Ltmp2, $4  }
0x3c: {  	_ = 	snop  }
0x3d: {  	v8 =	vor.u32 s7, v4;
	v10 =	vmpcnt.ones.xlane vm0;
	v9 =	vmpcnt.ones.xlane vm1  }
0x3e: {  	[tilespmem:v7+s4+$0x0] =	vst.idx.msk vm1, v8  }
0x3f: {  	s5 =	sadd.s32 $0x10, s5;
	s7 =	sadd.s32 $0x10, s7;
	v2 =	vadd.s32 v2, v10;
	v5 =	vadd.s32 v5, v9;
	[tilespmem:v7+s6+$0x0] =	vst.idx.msk vm1, v6  }
0x40: {  	v0 =	vld [tilespmem:s4+$0x0];
	_ =	sdelay $0x4  }
0x41: {  	v1 =	vshll.u32 v0, $0x3  }
0x42: {  	v0 =	vand.u32 $0x7F, v0;
	v1 =	vand.u32 $0xFFFFFC00, v1  }
0x43: {  	v1 =	vor.u32 v0, v1  }
0x44: {  	s5 =	simm.s32 $0x0  }
0x45: {  	v2 =	vmov s5;
	v0 =	vlaneseq.u32  }
0x46: {  	v2 =	vshll.u32 v2, $0x3;
	v3 =	vor.u32 s5, v0  }
0x47: {  	v2 =	vand.u32 $0x1C00, v2;
	s5 =	simm.s32 $0x1400;
	v3 =	vand.u32 $0x7F, v3  }
0x48: {  	v2 =	vor.u32 v3, v2;
	v4 =	vld.idx.msk [tilespmem:v1+s5+$0x0], $0xffff  }
0x49: {  	v3 =	vor.u32 $0x80, v1;
	_ =	sdelay $0x2  }
0x4a: {  	s6 =	simm.s32 $0xBC00  }
0x4b: {  	[tilespmem:v2+s6+$0x0] =	vst.idx.msk $0xffff, v4  }
0x4c: {  	v60 =	vor.u32 $0x80, v2;
	v3 =	vld.idx.msk [tilespmem:v3+s5+$0x0], $0xffff  }
0x4d: {  	v5 =	vor.u32 $0x100, v1;
	_ =	sdelay $0x3  }
0x4e: {  	[tilespmem:v60+s6+$0x0] =	vst.idx.msk $0xffff, v3  }
0x4f: {  	v61 =	vor.u32 $0x100, v2;
	v3 =	vld.idx.msk [tilespmem:v5+s5+$0x0], $0xffff  }
0x50: {  	v62 =	vor.u32 $0x180, v1;
	_ =	sdelay $0x3  }
0x51: {  	[tilespmem:v61+s6+$0x0] =	vst.idx.msk $0xffff, v3  }
0x52: {  	v63 =	vor.u32 $0x180, v2;
	v3 =	vld.idx.msk [tilespmem:v62+s5+$0x0], $0xffff  }
0x53: {  	v1 =	vor.u32 $0x200, v1;
	_ =	sdelay $0x3  }
0x54: {  	[tilespmem:v63+s6+$0x0] =	vst.idx.msk $0xffff, v3  }
0x55: {  	s7 =	simm.s32 $0x10;
	v2 =	vor.u32 $0x200, v2;
	v1 =	vld.idx.msk [tilespmem:v1+s5+$0x0], $0xffff  }
.LBB2_6:
0x56: {  	_ =	sdelay $0x2  }
0x57: {  	p0 =	sne.s32 s7, $0x3F0  }
0x58: {  	s4 =	sadd.s32 $0x10, s4;
	s8 =	smov.u32 s7;
	s7 =	sadd.s32 $0x10, s7;
	[tilespmem:v2+s6+$0x0] =	vst.idx.msk $0xffff, v1  }
0x59: {  	v1 =	vld [tilespmem:s4+$0x0];
	_ =	sdelay $0x4  }
0x5a: {  	v2 =	vshll.u32 v1, $0x3  }
0x5b: {  	v1 =	vand.u32 $0x7F, v1;
	v2 =	vand.u32 $0xFFFFFC00, v2  }
0x5c: {  	v1 =	vor.u32 v1, v2;
	_ =	sdelay $0x2  }
0x5d: {  	v2 =	vmov s8  }
0x5e: {  	v3 =	vor.u32 s8, v0;
	v2 =	vshll.u32 v2, $0x3  }
0x5f: {  	v3 =	vand.u32 $0x7F, v3;
	v2 =	vand.u32 $0x1C00, v2;
	v4 =	vld.idx.msk [tilespmem:v1+s5+$0x0], $0xffff  }
0x60: {  	v2 =	vor.u32 v3, v2  }
0x61: {  	v3 =	vor.u32 $0x80, v1;
	_ =	sdelay $0x3  }
0x62: {  	[tilespmem:v2+s6+$0x0] =	vst.idx.msk $0xffff, v4  }
0x63: {  	v3 =	vld.idx.msk [tilespmem:v3+s5+$0x0], $0xffff  }
0x64: {  	v4 =	vor.u32 $0x80, v2  }
0x65: {  	v5 =	vor.u32 $0x100, v1;
	_ =	sdelay $0x3  }
0x66: {  	[tilespmem:v4+s6+$0x0] =	vst.idx.msk $0xffff, v3  }
0x67: {  	v3 =	vld.idx.msk [tilespmem:v5+s5+$0x0], $0xffff  }
0x68: {  	v4 =	vor.u32 $0x100, v2  }
0x69: {  	v5 =	vor.u32 $0x180, v1;
	_ =	sdelay $0x3  }
0x6a: {  	[tilespmem:v4+s6+$0x0] =	vst.idx.msk $0xffff, v3  }
0x6b: {  	v3 =	vld.idx.msk [tilespmem:v5+s5+$0x0], $0xffff  }
0x6c: {  	v4 =	vor.u32 $0x180, v2  }
0x6d: {  	v1 =	vor.u32 $0x200, v1;
	_ =	sdelay $0x1  }
.Ltmp3:
0x6e: {  	(pc) =	sbr.rel @p0 .LBB2_6-.Ltmp3, $4  }
0x6f: {  	_ = 	snop  }
0x70: {  	[tilespmem:v4+s6+$0x0] =	vst.idx.msk $0xffff, v3  }
0x71: {  	v1 =	vld.idx.msk [tilespmem:v1+s5+$0x0], $0xffff  }
0x72: {  	v2 =	vor.u32 $0x200, v2  }
0x73: {  	_ =	sdelay $0x2  }
0x74: {  	s4 =	simm.s32 $0x80  }
0x75: {  	s5 =	simm.s32 $0x400;
	s28 =	simm.s32 $0xB800;
	s29 =	simm.s32 $0x1;
	[tilespmem:v2+s6+$0x0] =	vst.idx.msk $0xffff, v1  }
0x76: {  	[hbm4b:s3+s4] =	stream.strided.scatter [tilespmem:s28], [sflag:$0x1], $0x400, s5, s4, $0x38;
	[tilespmem:$0xDD00] =	vst v63  }
0x77: {  	_ =	swait.ge [sflag:s29], $0x400  }
0x78: {  	[sflag:s29] =	ssyncset.done $0x0  }
0x79: {  	s30 =	simm.s32 $0x0;
	s31 =	simm.s32 $0xBC00;
	[sflag:s29] =	ssyncadd.s32 $0xFFFFFC00  }
0x7a: {  	[hbm4b:s2+s30] =	stream.linear.scatter [tilespmem:s31], [sflag:$0x1], $0x2000, $0x38;
	[tilespmem:$0xDD00] =	vst v63  }
0x7b: {  	_ =	swait.ge [sflag:s29], $0x2000  }
0x7c: {  	[sflag:s29] =	ssyncset.done $0x0  }
0x7d: {  	[sflag:s29] =	ssyncadd.s32 $0xFFFFE000  }
.LBB2_8:
0x7e: {  	_ =	sfence.sel $0x180000  }
0x7f: {  	[bflag:$0x0] =	sbarrier.arrive $0xFFFF  }
0x80: {  	p0 =	sne.s32 s1, $0x0;
	_ =	strace $0x90000047  }
0x81: {  	s0 =	sadd.s32 @!p0 $0x100000, s0;
	[bflag:$0x2] =	sbarrier.arrive $0xFFFF  }
0x82: {  	[sflag:s0] =	ssyncadd.tile.s32 @!p0 $0x1;
	_ =	shalt  }
.Lfunc_end2:
_tile_overlayer_lowered:
.L_overlay_start_2:
0x83: {  	(tag) =	ssettag $0x2  }
0x84: {  	s0 =	rddreg [dreg:$0x0];
	s2 =	stileid.u32  }
0x85: {  	s1 =	rddreg [dreg:$0x1];
	p0 =	sne.s32 s2, $0x0  }
0x86: {  	s3 =	rddreg [dreg:$0x2];
	[bflag:$0x3] =	sbarrier.arrive $0xFFFF;
	s2 =	simm.s32 @!p0 $0x1C01  }
0x87: {  	[timem:s3], [sflag:s2] =	dma.local @!p0 [hbm:s0], s1  }
0x88: {  	s0 =	simm.s32 @!p0 $0x1  }
0x89: {  	_ =	swait.ge @!p0 [sflag:s0], s1  }
0x8a: {  	s1 =	ssub.s32 @!p0 $0x0, s1;
	[sflag:s0] =	ssyncset.done @!p0 $0x0  }
0x8b: {  	[sflag:s0] =	ssyncadd.s32 @!p0 s1  }
0x8c: {  	[bflag:$0x3] =	sbarrier.arrive $0xFFFF  }
0x8d: {  	_ =	shalt  }

</sc_bundles>
